<compile_context>
chip_gen: v7x
topology: tpu7x:2x2x1
jax: 0.10.2.dev20260603
libtpu: 0.0.44.dev20260713+nightly
codegen_flags: <defaults>
</compile_context>

<pallas_src>
import functools

import jax
import jax.numpy as jnp
from jax import lax
from jax.experimental import pallas as pl
from jax.experimental.pallas import tpu as pltpu
from jax.experimental.pallas import tpu_sc as plsc

BATCH = 16384
DIM = 512
NUM_CORES = 2
NUM_SUBCORES = 16
NUM_WORKERS = NUM_CORES * NUM_SUBCORES
ROWS_PER_WORKER = BATCH // NUM_WORKERS
CHUNK = 32
NUM_CHUNKS = ROWS_PER_WORKER // CHUNK
NBUF = 7

_mesh = plsc.VectorSubcoreMesh(core_axis_name="c", subcore_axis_name="s")


@functools.partial(
    pl.kernel,
    mesh=_mesh,
    out_type=jax.ShapeDtypeStruct((BATCH, DIM), jnp.float32),
    scratch_types=[
        pltpu.VMEM((ROWS_PER_WORKER,), jnp.int32),
        pltpu.VMEM((NBUF, CHUNK, DIM), jnp.float32),
    ] + [pltpu.SemaphoreType.DMA] * (2 * NBUF),
)
def _sc_gather(idx_hbm, table_hbm, out_hbm, idx_v, rows_v, *sems):
    gsems, ssems = sems[:NBUF], sems[NBUF:]
    wid = lax.axis_index("s") * NUM_CORES + lax.axis_index("c")
    base = wid * ROWS_PER_WORKER
    pltpu.sync_copy(idx_hbm.at[pl.ds(base, ROWS_PER_WORKER)], idx_v)

    gathers = [None] * NUM_CHUNKS
    stores = [None] * NUM_CHUNKS
    for j in range(min(NBUF - 1, NUM_CHUNKS)):
        gathers[j] = pltpu.async_copy(
            table_hbm.at[idx_v.at[pl.ds(j * CHUNK, CHUNK)]],
            rows_v.at[j % NBUF], gsems[j % NBUF])
    for j in range(NUM_CHUNKS):
        b = j % NBUF
        gathers[j].wait()
        stores[j] = pltpu.async_copy(
            rows_v.at[b], out_hbm.at[pl.ds(base + j * CHUNK, CHUNK)],
            ssems[b])
        nj = j + NBUF - 1
        if nj < NUM_CHUNKS:
            if nj - NBUF >= 0:
                stores[nj - NBUF].wait()
            gathers[nj] = pltpu.async_copy(
                table_hbm.at[idx_v.at[pl.ds(nj * CHUNK, CHUNK)]],
                rows_v.at[nj % NBUF], gsems[nj % NBUF])
    for j in range(max(0, NUM_CHUNKS - NBUF), NUM_CHUNKS):
        stores[j].wait()


def kernel(timesteps, pos_encoding):
    return _sc_gather(timesteps.astype(jnp.int32), pos_encoding)

# --- scband reference (transcript-rebuilt; emitter-appended) ---
"""Pipeline reference for scband-progress-indicator-embedding-26139170964321 (READ-ONLY COPY).

The authoritative reference and input builder live on the scoring server;
editing this copy changes nothing except your own understanding.
"""

import jax, jax.numpy as jnp
import numpy as np

MAX_LEN = 10000
LATENT_DIM = 512
BATCH = 16384

def _build_pos_encoding(max_len, d_model):
    position = np.arange(max_len, dtype=np.float32)[:, None]
    div_term = np.exp(np.arange(0, d_model, 2, dtype=np.float32) * (-np.log(10000.0) / d_model))
    pe = np.zeros((max_len, d_model), dtype=np.float32)
    pe[:, 0::2] = np.sin(position * div_term)
    pe[:, 1::2] = np.cos(position * div_term)
    return jnp.asarray(pe)

def setup_inputs(seed: int = 0) -> dict:
    key = jax.random.key(seed)
    timesteps = jax.random.randint(key, (BATCH,), 0, MAX_LEN, dtype=jnp.int64 if jax.config.jax_enable_x64 else jnp.int32)
    pos_encoding = _build_pos_encoding(MAX_LEN, LATENT_DIM)
    return {"timesteps": timesteps, "pos_encoding": pos_encoding}

def reference(timesteps, pos_encoding):
    # Faithful translation: self.sequence_pos_encoder.pos_encoding[timesteps]
    return jnp.take(pos_encoding, timesteps, axis=0)

if __name__ == "__main__":
    import jax
    _d = setup_inputs()
    print(jax.jit(kernel)(*tuple(_d.values())))

</pallas_src>

<mosaic_0001>
#map = affine_map<(d0, d1) -> (0)>
#map1 = affine_map<(d0, d1) -> (0, 0)>
module attributes {stable_mosaic.version = 14 : i64} {
  func.func @_sc_gather(%arg0: i32, %arg1: i32, %arg2: memref<16384xi32, #tpu.memory_space<hbm>>, %arg3: memref<10000x512xf32, #tpu.memory_space<hbm>>, %arg4: memref<16384x512xf32, #tpu.memory_space<hbm>>, %arg5: memref<512xi32, #tpu.memory_space<vmem>>, %arg6: memref<7x32x512xf32, #tpu.memory_space<vmem>>, %arg7: memref<!tpu.dma_semaphore, #tpu.memory_space<semaphore_mem>>, %arg8: memref<!tpu.dma_semaphore, #tpu.memory_space<semaphore_mem>>, %arg9: memref<!tpu.dma_semaphore, #tpu.memory_space<semaphore_mem>>, %arg10: memref<!tpu.dma_semaphore, #tpu.memory_space<semaphore_mem>>, %arg11: memref<!tpu.dma_semaphore, #tpu.memory_space<semaphore_mem>>, %arg12: memref<!tpu.dma_semaphore, #tpu.memory_space<semaphore_mem>>, %arg13: memref<!tpu.dma_semaphore, #tpu.memory_space<semaphore_mem>>, %arg14: memref<!tpu.dma_semaphore, #tpu.memory_space<semaphore_mem>>, %arg15: memref<!tpu.dma_semaphore, #tpu.memory_space<semaphore_mem>>, %arg16: memref<!tpu.dma_semaphore, #tpu.memory_space<semaphore_mem>>, %arg17: memref<!tpu.dma_semaphore, #tpu.memory_space<semaphore_mem>>, %arg18: memref<!tpu.dma_semaphore, #tpu.memory_space<semaphore_mem>>, %arg19: memref<!tpu.dma_semaphore, #tpu.memory_space<semaphore_mem>>, %arg20: memref<!tpu.dma_semaphore, #tpu.memory_space<semaphore_mem>>) attributes {dimension_semantics = [#tpu.dimension_semantics<core_parallel>, #tpu.dimension_semantics<subcore_parallel>], iteration_bounds = array<i64: 2, 16>, scalar_prefetch = 0 : i64, scratch_operands = 16 : i64, tpu.core_type = #tpu.core_type<sc_vector_subcore>, window_params = [{transform_indices = #map}, {transform_indices = #map1}, {transform_indices = #map1}]} {
    %mul3A = arith.constant 2 : i32
    %mul3A_0 = arith.muli %arg1, %mul3A : i32
    %add3A = arith.addi %mul3A_0, %arg0 : i32
    %mul3A_1 = arith.constant 512 : i32
    %mul3A_2 = arith.muli %add3A, %mul3A_1 : i32
    "tpu.region"() ({
      %run_scoped3A = tpu.sem_alloc : memref<!tpu.dma_semaphore, #tpu.memory_space<semaphore_mem>>
      %dma_start3A_769 = tpu.memref_slice %arg2[%mul3A_2] : memref<16384xi32, #tpu.memory_space<hbm>> -> memref<512xi32, #tpu.memory_space<hbm>>
      %dma_start3A_770 = tpu.memref_slice %arg2[%mul3A_2] : memref<16384xi32, #tpu.memory_space<hbm>> -> memref<512xi32, #tpu.memory_space<hbm>>
      tpu.enqueue_dma source(%dma_start3A_770 : memref<512xi32, #tpu.memory_space<hbm>>) target(%arg5 : memref<512xi32, #tpu.memory_space<vmem>>) target_semaphore(%run_scoped3A : memref<!tpu.dma_semaphore, #tpu.memory_space<semaphore_mem>>)
      %dma_wait3A_771 = tpu.memref_slice %arg2[%mul3A_2] : memref<16384xi32, #tpu.memory_space<hbm>> -> memref<512xi32, #tpu.memory_space<hbm>>
      %dma_wait3A_772 = tpu.memref_slice %arg2[%mul3A_2] : memref<16384xi32, #tpu.memory_space<hbm>> -> memref<512xi32, #tpu.memory_space<hbm>>
      tpu.wait_dma2 semaphore(%run_scoped3A : memref<!tpu.dma_semaphore, #tpu.memory_space<semaphore_mem>>) src(%dma_wait3A_772 : memref<512xi32, #tpu.memory_space<hbm>>) dst(%arg5 : memref<512xi32, #tpu.memory_space<vmem>>)
      tpu.yield
    }) : () -> ()
    %dma_start3A = arith.constant 0 : i32
    %dma_start3A_3 = arith.constant 0 : i32
    %dma_start3A_4 = arith.constant 0 : i32
    %dma_start3A_5 = tpu.memref_slice %arg6[%dma_start3A, %dma_start3A_3, %dma_start3A_4] : memref<7x32x512xf32, #tpu.memory_space<vmem>> -> memref<1x32x512xf32, #tpu.memory_space<vmem>>
    %dma_start3A_6 = tpu.memref_squeeze %dma_start3A_5 : memref<1x32x512xf32, #tpu.memory_space<vmem>> -> memref<32x512xf32, #tpu.memory_space<vmem>>
    %dma_start3A_7 = arith.constant 0 : i32
    %dma_start3A_8 = tpu.memref_slice %arg5[%dma_start3A_7] : memref<512xi32, #tpu.memory_space<vmem>> -> memref<32xi32, #tpu.memory_space<vmem>>
    %dma_start3A_9 = arith.constant 0 : i32
    %dma_start3A_10 = arith.constant 0 : i32
    %dma_start3A_11 = tpu.memref_slice %arg3[%dma_start3A_9, %dma_start3A_10] : memref<10000x512xf32, #tpu.memory_space<hbm>> -> memref<10000x512xf32, #tpu.memory_space<hbm>>
    tpu.enqueue_indirect_dma source(%dma_start3A_11 : memref<10000x512xf32, #tpu.memory_space<hbm>>) target(%dma_start3A_6 : memref<32x512xf32, #tpu.memory_space<vmem>>) offsets(%dma_start3A_8 : memref<32xi32, #tpu.memory_space<vmem>>) semaphore(%arg7 : memref<!tpu.dma_semaphore, #tpu.memory_space<semaphore_mem>>)
    %dma_start3A_12 = arith.constant 1 : i32
    %dma_start3A_13 = arith.constant 0 : i32
    %dma_start3A_14 = arith.constant 0 : i32
    %dma_start3A_15 = tpu.memref_slice %arg6[%dma_start3A_12, %dma_start3A_13, %dma_start3A_14] : memref<7x32x512xf32, #tpu.memory_space<vmem>> -> memref<1x32x512xf32, #tpu.memory_space<vmem>>
    %dma_start3A_16 = tpu.memref_squeeze %dma_start3A_15 : memref<1x32x512xf32, #tpu.memory_space<vmem>> -> memref<32x512xf32, #tpu.memory_space<vmem>>
    %dma_start3A_17 = arith.constant 32 : i32
    %dma_start3A_18 = tpu.memref_slice %arg5[%dma_start3A_17] : memref<512xi32, #tpu.memory_space<vmem>> -> memref<32xi32, #tpu.memory_space<vmem>>
    %dma_start3A_19 = arith.constant 0 : i32
    %dma_start3A_20 = arith.constant 0 : i32
    %dma_start3A_21 = tpu.memref_slice %arg3[%dma_start3A_19, %dma_start3A_20] : memref<10000x512xf32, #tpu.memory_space<hbm>> -> memref<10000x512xf32, #tpu.memory_space<hbm>>
    tpu.enqueue_indirect_dma source(%dma_start3A_21 : memref<10000x512xf32, #tpu.memory_space<hbm>>) target(%dma_start3A_16 : memref<32x512xf32, #tpu.memory_space<vmem>>) offsets(%dma_start3A_18 : memref<32xi32, #tpu.memory_space<vmem>>) semaphore(%arg8 : memref<!tpu.dma_semaphore, #tpu.memory_space<semaphore_mem>>)
    %dma_start3A_22 = arith.constant 2 : i32
    %dma_start3A_23 = arith.constant 0 : i32
    %dma_start3A_24 = arith.constant 0 : i32
    %dma_start3A_25 = tpu.memref_slice %arg6[%dma_start3A_22, %dma_start3A_23, %dma_start3A_24] : memref<7x32x512xf32, #tpu.memory_space<vmem>> -> memref<1x32x512xf32, #tpu.memory_space<vmem>>
    %dma_start3A_26 = tpu.memref_squeeze %dma_start3A_25 : memref<1x32x512xf32, #tpu.memory_space<vmem>> -> memref<32x512xf32, #tpu.memory_space<vmem>>
    %dma_start3A_27 = arith.constant 64 : i32
    %dma_start3A_28 = tpu.memref_slice %arg5[%dma_start3A_27] : memref<512xi32, #tpu.memory_space<vmem>> -> memref<32xi32, #tpu.memory_space<vmem>>
    %dma_start3A_29 = arith.constant 0 : i32
    %dma_start3A_30 = arith.constant 0 : i32
    %dma_start3A_31 = tpu.memref_slice %arg3[%dma_start3A_29, %dma_start3A_30] : memref<10000x512xf32, #tpu.memory_space<hbm>> -> memref<10000x512xf32, #tpu.memory_space<hbm>>
    tpu.enqueue_indirect_dma source(%dma_start3A_31 : memref<10000x512xf32, #tpu.memory_space<hbm>>) target(%dma_start3A_26 : memref<32x512xf32, #tpu.memory_space<vmem>>) offsets(%dma_start3A_28 : memref<32xi32, #tpu.memory_space<vmem>>) semaphore(%arg9 : memref<!tpu.dma_semaphore, #tpu.memory_space<semaphore_mem>>)
    %dma_start3A_32 = arith.constant 3 : i32
    %dma_start3A_33 = arith.constant 0 : i32
    %dma_start3A_34 = arith.constant 0 : i32
    %dma_start3A_35 = tpu.memref_slice %arg6[%dma_start3A_32, %dma_start3A_33, %dma_start3A_34] : memref<7x32x512xf32, #tpu.memory_space<vmem>> -> memref<1x32x512xf32, #tpu.memory_space<vmem>>
    %dma_start3A_36 = tpu.memref_squeeze %dma_start3A_35 : memref<1x32x512xf32, #tpu.memory_space<vmem>> -> memref<32x512xf32, #tpu.memory_space<vmem>>
    %dma_start3A_37 = arith.constant 96 : i32
    %dma_start3A_38 = tpu.memref_slice %arg5[%dma_start3A_37] : memref<512xi32, #tpu.memory_space<vmem>> -> memref<32xi32, #tpu.memory_space<vmem>>
    %dma_start3A_39 = arith.constant 0 : i32
    %dma_start3A_40 = arith.constant 0 : i32
    %dma_start3A_41 = tpu.memref_slice %arg3[%dma_start3A_39, %dma_start3A_40] : memref<10000x512xf32, #tpu.memory_space<hbm>> -> memref<10000x512xf32, #tpu.memory_space<hbm>>
    tpu.enqueue_indirect_dma source(%dma_start3A_41 : memref<10000x512xf32, #tpu.memory_space<hbm>>) target(%dma_start3A_36 : memref<32x512xf32, #tpu.memory_space<vmem>>) offsets(%dma_start3A_38 : memref<32xi32, #tpu.memory_space<vmem>>) semaphore(%arg10 : memref<!tpu.dma_semaphore, #tpu.memory_space<semaphore_mem>>)
    %dma_start3A_42 = arith.constant 4 : i32
    %dma_start3A_43 = arith.constant 0 : i32
    %dma_start3A_44 = arith.constant 0 : i32
    %dma_start3A_45 = tpu.memref_slice %arg6[%dma_start3A_42, %dma_start3A_43, %dma_start3A_44] : memref<7x32x512xf32, #tpu.memory_space<vmem>> -> memref<1x32x512xf32, #tpu.memory_space<vmem>>
    %dma_start3A_46 = tpu.memref_squeeze %dma_start3A_45 : memref<1x32x512xf32, #tpu.memory_space<vmem>> -> memref<32x512xf32, #tpu.memory_space<vmem>>
    %dma_start3A_47 = arith.constant 128 : i32
    %dma_start3A_48 = tpu.memref_slice %arg5[%dma_start3A_47] : memref<512xi32, #tpu.memory_space<vmem>> -> memref<32xi32, #tpu.memory_space<vmem>>
    %dma_start3A_49 = arith.constant 0 : i32
    %dma_start3A_50 = arith.constant 0 : i32
    %dma_start3A_51 = tpu.memref_slice %arg3[%dma_start3A_49, %dma_start3A_50] : memref<10000x512xf32, #tpu.memory_space<hbm>> -> memref<10000x512xf32, #tpu.memory_space<hbm>>
    tpu.enqueue_indirect_dma source(%dma_start3A_51 : memref<10000x512xf32, #tpu.memory_space<hbm>>) target(%dma_start3A_46 : memref<32x512xf32, #tpu.memory_space<vmem>>) offsets(%dma_start3A_48 : memref<32xi32, #tpu.memory_space<vmem>>) semaphore(%arg11 : memref<!tpu.dma_semaphore, #tpu.memory_space<semaphore_mem>>)
    %dma_start3A_52 = arith.constant 5 : i32
    %dma_start3A_53 = arith.constant 0 : i32
    %dma_start3A_54 = arith.constant 0 : i32
    %dma_start3A_55 = tpu.memref_slice %arg6[%dma_start3A_52, %dma_start3A_53, %dma_start3A_54] : memref<7x32x512xf32, #tpu.memory_space<vmem>> -> memref<1x32x512xf32, #tpu.memory_space<vmem>>
    %dma_start3A_56 = tpu.memref_squeeze %dma_start3A_55 : memref<1x32x512xf32, #tpu.memory_space<vmem>> -> memref<32x512xf32, #tpu.memory_space<vmem>>
    %dma_start3A_57 = arith.constant 160 : i32
    %dma_start3A_58 = tpu.memref_slice %arg5[%dma_start3A_57] : memref<512xi32, #tpu.memory_space<vmem>> -> memref<32xi32, #tpu.memory_space<vmem>>
    %dma_start3A_59 = arith.constant 0 : i32
    %dma_start3A_60 = arith.constant 0 : i32
    %dma_start3A_61 = tpu.memref_slice %arg3[%dma_start3A_59, %dma_start3A_60] : memref<10000x512xf32, #tpu.memory_space<hbm>> -> memref<10000x512xf32, #tpu.memory_space<hbm>>
    tpu.enqueue_indirect_dma source(%dma_start3A_61 : memref<10000x512xf32, #tpu.memory_space<hbm>>) target(%dma_start3A_56 : memref<32x512xf32, #tpu.memory_space<vmem>>) offsets(%dma_start3A_58 : memref<32xi32, #tpu.memory_space<vmem>>) semaphore(%arg12 : memref<!tpu.dma_semaphore, #tpu.memory_space<semaphore_mem>>)
    %dma_wait3A = arith.constant 0 : i32
    %dma_wait3A_62 = arith.constant 0 : i32
    %dma_wait3A_63 = arith.constant 0 : i32
    %dma_wait3A_64 = tpu.memref_slice %arg6[%dma_wait3A, %dma_wait3A_62, %dma_wait3A_63] : memref<7x32x512xf32, #tpu.memory_space<vmem>> -> memref<1x32x512xf32, #tpu.memory_space<vmem>>
    %dma_wait3A_65 = tpu.memref_squeeze %dma_wait3A_64 : memref<1x32x512xf32, #tpu.memory_space<vmem>> -> memref<32x512xf32, #tpu.memory_space<vmem>>
    %dma_wait3A_66 = arith.constant 0 : i32
    %dma_wait3A_67 = tpu.memref_slice %arg5[%dma_wait3A_66] : memref<512xi32, #tpu.memory_space<vmem>> -> memref<32xi32, #tpu.memory_space<vmem>>
    %dma_wait3A_68 = arith.constant 0 : i32
    %dma_wait3A_69 = arith.constant 0 : i32
    %dma_wait3A_70 = tpu.memref_slice %arg3[%dma_wait3A_68, %dma_wait3A_69] : memref<10000x512xf32, #tpu.memory_space<hbm>> -> memref<10000x512xf32, #tpu.memory_space<hbm>>
    tpu.wait_indirect_dma semaphore(%arg7 : memref<!tpu.dma_semaphore, #tpu.memory_space<semaphore_mem>>) src(%dma_wait3A_70 : memref<10000x512xf32, #tpu.memory_space<hbm>>) dst(%dma_wait3A_65 : memref<32x512xf32, #tpu.memory_space<vmem>>)
    %add3A_71 = arith.constant 0 : i32
    %add3A_72 = arith.addi %mul3A_2, %add3A_71 : i32
    %dma_start3A_73 = arith.constant 0 : i32
    %dma_start3A_74 = arith.constant 0 : i32
    %dma_start3A_75 = arith.constant 0 : i32
    %dma_start3A_76 = tpu.memref_slice %arg6[%dma_start3A_73, %dma_start3A_74, %dma_start3A_75] : memref<7x32x512xf32, #tpu.memory_space<vmem>> -> memref<1x32x512xf32, #tpu.memory_space<vmem>>
    %dma_start3A_77 = tpu.memref_squeeze %dma_start3A_76 : memref<1x32x512xf32, #tpu.memory_space<vmem>> -> memref<32x512xf32, #tpu.memory_space<vmem>>
    %dma_start3A_78 = arith.constant 0 : i32
    %dma_start3A_79 = tpu.memref_slice %arg4[%add3A_72, %dma_start3A_78] : memref<16384x512xf32, #tpu.memory_space<hbm>> -> memref<32x512xf32, #tpu.memory_space<hbm>>
    %dma_start3A_80 = arith.constant 0 : i32
    %dma_start3A_81 = tpu.memref_slice %arg4[%add3A_72, %dma_start3A_80] : memref<16384x512xf32, #tpu.memory_space<hbm>> -> memref<32x512xf32, #tpu.memory_space<hbm>>
    %dma_start3A_82 = arith.constant 0 : i32
    %dma_start3A_83 = arith.constant 0 : i32
    %dma_start3A_84 = tpu.memref_slice %arg6[%dma_start3A_73, %dma_start3A_82, %dma_start3A_83] : memref<7x32x512xf32, #tpu.memory_space<vmem>> -> memref<1x32x512xf32, #tpu.memory_space<vmem>>
    %dma_start3A_85 = tpu.memref_squeeze %dma_start3A_84 : memref<1x32x512xf32, #tpu.memory_space<vmem>> -> memref<32x512xf32, #tpu.memory_space<vmem>>
    tpu.enqueue_dma source(%dma_start3A_85 : memref<32x512xf32, #tpu.memory_space<vmem>>) target(%dma_start3A_81 : memref<32x512xf32, #tpu.memory_space<hbm>>) target_semaphore(%arg14 : memref<!tpu.dma_semaphore, #tpu.memory_space<semaphore_mem>>)
    %dma_start3A_86 = arith.constant 6 : i32
    %dma_start3A_87 = arith.constant 0 : i32
    %dma_start3A_88 = arith.constant 0 : i32
    %dma_start3A_89 = tpu.memref_slice %arg6[%dma_start3A_86, %dma_start3A_87, %dma_start3A_88] : memref<7x32x512xf32, #tpu.memory_space<vmem>> -> memref<1x32x512xf32, #tpu.memory_space<vmem>>
    %dma_start3A_90 = tpu.memref_squeeze %dma_start3A_89 : memref<1x32x512xf32, #tpu.memory_space<vmem>> -> memref<32x512xf32, #tpu.memory_space<vmem>>
    %dma_start3A_91 = arith.constant 192 : i32
    %dma_start3A_92 = tpu.memref_slice %arg5[%dma_start3A_91] : memref<512xi32, #tpu.memory_space<vmem>> -> memref<32xi32, #tpu.memory_space<vmem>>
    %dma_start3A_93 = arith.constant 0 : i32
    %dma_start3A_94 = arith.constant 0 : i32
    %dma_start3A_95 = tpu.memref_slice %arg3[%dma_start3A_93, %dma_start3A_94] : memref<10000x512xf32, #tpu.memory_space<hbm>> -> memref<10000x512xf32, #tpu.memory_space<hbm>>
    tpu.enqueue_indirect_dma source(%dma_start3A_95 : memref<10000x512xf32, #tpu.memory_space<hbm>>) target(%dma_start3A_90 : memref<32x512xf32, #tpu.memory_space<vmem>>) offsets(%dma_start3A_92 : memref<32xi32, #tpu.memory_space<vmem>>) semaphore(%arg13 : memref<!tpu.dma_semaphore, #tpu.memory_space<semaphore_mem>>)
    %dma_wait3A_96 = arith.constant 1 : i32
    %dma_wait3A_97 = arith.constant 0 : i32
    %dma_wait3A_98 = arith.constant 0 : i32
    %dma_wait3A_99 = tpu.memref_slice %arg6[%dma_wait3A_96, %dma_wait3A_97, %dma_wait3A_98] : memref<7x32x512xf32, #tpu.memory_space<vmem>> -> memref<1x32x512xf32, #tpu.memory_space<vmem>>
    %dma_wait3A_100 = tpu.memref_squeeze %dma_wait3A_99 : memref<1x32x512xf32, #tpu.memory_space<vmem>> -> memref<32x512xf32, #tpu.memory_space<vmem>>
    %dma_wait3A_101 = arith.constant 32 : i32
    %dma_wait3A_102 = tpu.memref_slice %arg5[%dma_wait3A_101] : memref<512xi32, #tpu.memory_space<vmem>> -> memref<32xi32, #tpu.memory_space<vmem>>
    %dma_wait3A_103 = arith.constant 0 : i32
    %dma_wait3A_104 = arith.constant 0 : i32
    %dma_wait3A_105 = tpu.memref_slice %arg3[%dma_wait3A_103, %dma_wait3A_104] : memref<10000x512xf32, #tpu.memory_space<hbm>> -> memref<10000x512xf32, #tpu.memory_space<hbm>>
    tpu.wait_indirect_dma semaphore(%arg8 : memref<!tpu.dma_semaphore, #tpu.memory_space<semaphore_mem>>) src(%dma_wait3A_105 : memref<10000x512xf32, #tpu.memory_space<hbm>>) dst(%dma_wait3A_100 : memref<32x512xf32, #tpu.memory_space<vmem>>)
    %add3A_106 = arith.constant 32 : i32
    %add3A_107 = arith.addi %mul3A_2, %add3A_106 : i32
    %dma_start3A_108 = arith.constant 1 : i32
    %dma_start3A_109 = arith.constant 0 : i32
    %dma_start3A_110 = arith.constant 0 : i32
    %dma_start3A_111 = tpu.memref_slice %arg6[%dma_start3A_108, %dma_start3A_109, %dma_start3A_110] : memref<7x32x512xf32, #tpu.memory_space<vmem>> -> memref<1x32x512xf32, #tpu.memory_space<vmem>>
    %dma_start3A_112 = tpu.memref_squeeze %dma_start3A_111 : memref<1x32x512xf32, #tpu.memory_space<vmem>> -> memref<32x512xf32, #tpu.memory_space<vmem>>
    %dma_start3A_113 = arith.constant 0 : i32
    %dma_start3A_114 = tpu.memref_slice %arg4[%add3A_107, %dma_start3A_113] : memref<16384x512xf32, #tpu.memory_space<hbm>> -> memref<32x512xf32, #tpu.memory_space<hbm>>
    %dma_start3A_115 = arith.constant 0 : i32
    %dma_start3A_116 = tpu.memref_slice %arg4[%add3A_107, %dma_start3A_115] : memref<16384x512xf32, #tpu.memory_space<hbm>> -> memref<32x512xf32, #tpu.memory_space<hbm>>
    %dma_start3A_117 = arith.constant 0 : i32
    %dma_start3A_118 = arith.constant 0 : i32
    %dma_start3A_119 = tpu.memref_slice %arg6[%dma_start3A_108, %dma_start3A_117, %dma_start3A_118] : memref<7x32x512xf32, #tpu.memory_space<vmem>> -> memref<1x32x512xf32, #tpu.memory_space<vmem>>
    %dma_start3A_120 = tpu.memref_squeeze %dma_start3A_119 : memref<1x32x512xf32, #tpu.memory_space<vmem>> -> memref<32x512xf32, #tpu.memory_space<vmem>>
    tpu.enqueue_dma source(%dma_start3A_120 : memref<32x512xf32, #tpu.memory_space<vmem>>) target(%dma_start3A_116 : memref<32x512xf32, #tpu.memory_space<hbm>>) target_semaphore(%arg15 : memref<!tpu.dma_semaphore, #tpu.memory_space<semaphore_mem>>)
    %dma_wait3A_121 = arith.constant 0 : i32
    %dma_wait3A_122 = arith.constant 0 : i32
    %dma_wait3A_123 = arith.constant 0 : i32
    %dma_wait3A_124 = tpu.memref_slice %arg6[%dma_wait3A_121, %dma_wait3A_122, %dma_wait3A_123] : memref<7x32x512xf32, #tpu.memory_space<vmem>> -> memref<1x32x512xf32, #tpu.memory_space<vmem>>
    %dma_wait3A_125 = tpu.memref_squeeze %dma_wait3A_124 : memref<1x32x512xf32, #tpu.memory_space<vmem>> -> memref<32x512xf32, #tpu.memory_space<vmem>>
    %dma_wait3A_126 = arith.constant 0 : i32
    %dma_wait3A_127 = tpu.memref_slice %arg4[%add3A_72, %dma_wait3A_126] : memref<16384x512xf32, #tpu.memory_space<hbm>> -> memref<32x512xf32, #tpu.memory_space<hbm>>
    %dma_wait3A_128 = arith.constant 0 : i32
    %dma_wait3A_129 = tpu.memref_slice %arg4[%add3A_72, %dma_wait3A_128] : memref<16384x512xf32, #tpu.memory_space<hbm>> -> memref<32x512xf32, #tpu.memory_space<hbm>>
    %dma_wait3A_130 = arith.constant 0 : i32
    %dma_wait3A_131 = arith.constant 0 : i32
    %dma_wait3A_132 = tpu.memref_slice %arg6[%dma_wait3A_121, %dma_wait3A_130, %dma_wait3A_131] : memref<7x32x512xf32, #tpu.memory_space<vmem>> -> memref<1x32x512xf32, #tpu.memory_space<vmem>>
    %dma_wait3A_133 = tpu.memref_squeeze %dma_wait3A_132 : memref<1x32x512xf32, #tpu.memory_space<vmem>> -> memref<32x512xf32, #tpu.memory_space<vmem>>
    tpu.wait_dma2 semaphore(%arg14 : memref<!tpu.dma_semaphore, #tpu.memory_space<semaphore_mem>>) src(%dma_wait3A_133 : memref<32x512xf32, #tpu.memory_space<vmem>>) dst(%dma_wait3A_129 : memref<32x512xf32, #tpu.memory_space<hbm>>)
    %dma_start3A_134 = arith.constant 0 : i32
    %dma_start3A_135 = arith.constant 0 : i32
    %dma_start3A_136 = arith.constant 0 : i32
    %dma_start3A_137 = tpu.memref_slice %arg6[%dma_start3A_134, %dma_start3A_135, %dma_start3A_136] : memref<7x32x512xf32, #tpu.memory_space<vmem>> -> memref<1x32x512xf32, #tpu.memory_space<vmem>>
    %dma_start3A_138 = tpu.memref_squeeze %dma_start3A_137 : memref<1x32x512xf32, #tpu.memory_space<vmem>> -> memref<32x512xf32, #tpu.memory_space<vmem>>
    %dma_start3A_139 = arith.constant 224 : i32
    %dma_start3A_140 = tpu.memref_slice %arg5[%dma_start3A_139] : memref<512xi32, #tpu.memory_space<vmem>> -> memref<32xi32, #tpu.memory_space<vmem>>
    %dma_start3A_141 = arith.constant 0 : i32
    %dma_start3A_142 = arith.constant 0 : i32
    %dma_start3A_143 = tpu.memref_slice %arg3[%dma_start3A_141, %dma_start3A_142] : memref<10000x512xf32, #tpu.memory_space<hbm>> -> memref<10000x512xf32, #tpu.memory_space<hbm>>
    tpu.enqueue_indirect_dma source(%dma_start3A_143 : memref<10000x512xf32, #tpu.memory_space<hbm>>) target(%dma_start3A_138 : memref<32x512xf32, #tpu.memory_space<vmem>>) offsets(%dma_start3A_140 : memref<32xi32, #tpu.memory_space<vmem>>) semaphore(%arg7 : memref<!tpu.dma_semaphore, #tpu.memory_space<semaphore_mem>>)
    %dma_wait3A_144 = arith.constant 2 : i32
    %dma_wait3A_145 = arith.constant 0 : i32
    %dma_wait3A_146 = arith.constant 0 : i32
    %dma_wait3A_147 = tpu.memref_slice %arg6[%dma_wait3A_144, %dma_wait3A_145, %dma_wait3A_146] : memref<7x32x512xf32, #tpu.memory_space<vmem>> -> memref<1x32x512xf32, #tpu.memory_space<vmem>>
    %dma_wait3A_148 = tpu.memref_squeeze %dma_wait3A_147 : memref<1x32x512xf32, #tpu.memory_space<vmem>> -> memref<32x512xf32, #tpu.memory_space<vmem>>
    %dma_wait3A_149 = arith.constant 64 : i32
    %dma_wait3A_150 = tpu.memref_slice %arg5[%dma_wait3A_149] : memref<512xi32, #tpu.memory_space<vmem>> -> memref<32xi32, #tpu.memory_space<vmem>>
    %dma_wait3A_151 = arith.constant 0 : i32
    %dma_wait3A_152 = arith.constant 0 : i32
    %dma_wait3A_153 = tpu.memref_slice %arg3[%dma_wait3A_151, %dma_wait3A_152] : memref<10000x512xf32, #tpu.memory_space<hbm>> -> memref<10000x512xf32, #tpu.memory_space<hbm>>
    tpu.wait_indirect_dma semaphore(%arg9 : memref<!tpu.dma_semaphore, #tpu.memory_space<semaphore_mem>>) src(%dma_wait3A_153 : memref<10000x512xf32, #tpu.memory_space<hbm>>) dst(%dma_wait3A_148 : memref<32x512xf32, #tpu.memory_space<vmem>>)
    %add3A_154 = arith.constant 64 : i32
    %add3A_155 = arith.addi %mul3A_2, %add3A_154 : i32
    %dma_start3A_156 = arith.constant 2 : i32
    %dma_start3A_157 = arith.constant 0 : i32
    %dma_start3A_158 = arith.constant 0 : i32
    %dma_start3A_159 = tpu.memref_slice %arg6[%dma_start3A_156, %dma_start3A_157, %dma_start3A_158] : memref<7x32x512xf32, #tpu.memory_space<vmem>> -> memref<1x32x512xf32, #tpu.memory_space<vmem>>
    %dma_start3A_160 = tpu.memref_squeeze %dma_start3A_159 : memref<1x32x512xf32, #tpu.memory_space<vmem>> -> memref<32x512xf32, #tpu.memory_space<vmem>>
    %dma_start3A_161 = arith.constant 0 : i32
    %dma_start3A_162 = tpu.memref_slice %arg4[%add3A_155, %dma_start3A_161] : memref<16384x512xf32, #tpu.memory_space<hbm>> -> memref<32x512xf32, #tpu.memory_space<hbm>>
    %dma_start3A_163 = arith.constant 0 : i32
    %dma_start3A_164 = tpu.memref_slice %arg4[%add3A_155, %dma_start3A_163] : memref<16384x512xf32, #tpu.memory_space<hbm>> -> memref<32x512xf32, #tpu.memory_space<hbm>>
    %dma_start3A_165 = arith.constant 0 : i32
    %dma_start3A_166 = arith.constant 0 : i32
    %dma_start3A_167 = tpu.memref_slice %arg6[%dma_start3A_156, %dma_start3A_165, %dma_start3A_166] : memref<7x32x512xf32, #tpu.memory_space<vmem>> -> memref<1x32x512xf32, #tpu.memory_space<vmem>>
    %dma_start3A_168 = tpu.memref_squeeze %dma_start3A_167 : memref<1x32x512xf32, #tpu.memory_space<vmem>> -> memref<32x512xf32, #tpu.memory_space<vmem>>
    tpu.enqueue_dma source(%dma_start3A_168 : memref<32x512xf32, #tpu.memory_space<vmem>>) target(%dma_start3A_164 : memref<32x512xf32, #tpu.memory_space<hbm>>) target_semaphore(%arg16 : memref<!tpu.dma_semaphore, #tpu.memory_space<semaphore_mem>>)
    %dma_wait3A_169 = arith.constant 1 : i32
    %dma_wait3A_170 = arith.constant 0 : i32
    %dma_wait3A_171 = arith.constant 0 : i32
    %dma_wait3A_172 = tpu.memref_slice %arg6[%dma_wait3A_169, %dma_wait3A_170, %dma_wait3A_171] : memref<7x32x512xf32, #tpu.memory_space<vmem>> -> memref<1x32x512xf32, #tpu.memory_space<vmem>>
    %dma_wait3A_173 = tpu.memref_squeeze %dma_wait3A_172 : memref<1x32x512xf32, #tpu.memory_space<vmem>> -> memref<32x512xf32, #tpu.memory_space<vmem>>
    %dma_wait3A_174 = arith.constant 0 : i32
    %dma_wait3A_175 = tpu.memref_slice %arg4[%add3A_107, %dma_wait3A_174] : memref<16384x512xf32, #tpu.memory_space<hbm>> -> memref<32x512xf32, #tpu.memory_space<hbm>>
    %dma_wait3A_176 = arith.constant 0 : i32
    %dma_wait3A_177 = tpu.memref_slice %arg4[%add3A_107, %dma_wait3A_176] : memref<16384x512xf32, #tpu.memory_space<hbm>> -> memref<32x512xf32, #tpu.memory_space<hbm>>
    %dma_wait3A_178 = arith.constant 0 : i32
    %dma_wait3A_179 = arith.constant 0 : i32
    %dma_wait3A_180 = tpu.memref_slice %arg6[%dma_wait3A_169, %dma_wait3A_178, %dma_wait3A_179] : memref<7x32x512xf32, #tpu.memory_space<vmem>> -> memref<1x32x512xf32, #tpu.memory_space<vmem>>
    %dma_wait3A_181 = tpu.memref_squeeze %dma_wait3A_180 : memref<1x32x512xf32, #tpu.memory_space<vmem>> -> memref<32x512xf32, #tpu.memory_space<vmem>>
    tpu.wait_dma2 semaphore(%arg15 : memref<!tpu.dma_semaphore, #tpu.memory_space<semaphore_mem>>) src(%dma_wait3A_181 : memref<32x512xf32, #tpu.memory_space<vmem>>) dst(%dma_wait3A_177 : memref<32x512xf32, #tpu.memory_space<hbm>>)
    %dma_start3A_182 = arith.constant 1 : i32
    %dma_start3A_183 = arith.constant 0 : i32
    %dma_start3A_184 = arith.constant 0 : i32
    %dma_start3A_185 = tpu.memref_slice %arg6[%dma_start3A_182, %dma_start3A_183, %dma_start3A_184] : memref<7x32x512xf32, #tpu.memory_space<vmem>> -> memref<1x32x512xf32, #tpu.memory_space<vmem>>
    %dma_start3A_186 = tpu.memref_squeeze %dma_start3A_185 : memref<1x32x512xf32, #tpu.memory_space<vmem>> -> memref<32x512xf32, #tpu.memory_space<vmem>>
    %dma_start3A_187 = arith.constant 256 : i32
    %dma_start3A_188 = tpu.memref_slice %arg5[%dma_start3A_187] : memref<512xi32, #tpu.memory_space<vmem>> -> memref<32xi32, #tpu.memory_space<vmem>>
    %dma_start3A_189 = arith.constant 0 : i32
    %dma_start3A_190 = arith.constant 0 : i32
    %dma_start3A_191 = tpu.memref_slice %arg3[%dma_start3A_189, %dma_start3A_190] : memref<10000x512xf32, #tpu.memory_space<hbm>> -> memref<10000x512xf32, #tpu.memory_space<hbm>>
    tpu.enqueue_indirect_dma source(%dma_start3A_191 : memref<10000x512xf32, #tpu.memory_space<hbm>>) target(%dma_start3A_186 : memref<32x512xf32, #tpu.memory_space<vmem>>) offsets(%dma_start3A_188 : memref<32xi32, #tpu.memory_space<vmem>>) semaphore(%arg8 : memref<!tpu.dma_semaphore, #tpu.memory_space<semaphore_mem>>)
    %dma_wait3A_192 = arith.constant 3 : i32
    %dma_wait3A_193 = arith.constant 0 : i32
    %dma_wait3A_194 = arith.constant 0 : i32
    %dma_wait3A_195 = tpu.memref_slice %arg6[%dma_wait3A_192, %dma_wait3A_193, %dma_wait3A_194] : memref<7x32x512xf32, #tpu.memory_space<vmem>> -> memref<1x32x512xf32, #tpu.memory_space<vmem>>
    %dma_wait3A_196 = tpu.memref_squeeze %dma_wait3A_195 : memref<1x32x512xf32, #tpu.memory_space<vmem>> -> memref<32x512xf32, #tpu.memory_space<vmem>>
    %dma_wait3A_197 = arith.constant 96 : i32
    %dma_wait3A_198 = tpu.memref_slice %arg5[%dma_wait3A_197] : memref<512xi32, #tpu.memory_space<vmem>> -> memref<32xi32, #tpu.memory_space<vmem>>
    %dma_wait3A_199 = arith.constant 0 : i32
    %dma_wait3A_200 = arith.constant 0 : i32
    %dma_wait3A_201 = tpu.memref_slice %arg3[%dma_wait3A_199, %dma_wait3A_200] : memref<10000x512xf32, #tpu.memory_space<hbm>> -> memref<10000x512xf32, #tpu.memory_space<hbm>>
    tpu.wait_indirect_dma semaphore(%arg10 : memref<!tpu.dma_semaphore, #tpu.memory_space<semaphore_mem>>) src(%dma_wait3A_201 : memref<10000x512xf32, #tpu.memory_space<hbm>>) dst(%dma_wait3A_196 : memref<32x512xf32, #tpu.memory_space<vmem>>)
    %add3A_202 = arith.constant 96 : i32
    %add3A_203 = arith.addi %mul3A_2, %add3A_202 : i32
    %dma_start3A_204 = arith.constant 3 : i32
    %dma_start3A_205 = arith.constant 0 : i32
    %dma_start3A_206 = arith.constant 0 : i32
    %dma_start3A_207 = tpu.memref_slice %arg6[%dma_start3A_204, %dma_start3A_205, %dma_start3A_206] : memref<7x32x512xf32, #tpu.memory_space<vmem>> -> memref<1x32x512xf32, #tpu.memory_space<vmem>>
    %dma_start3A_208 = tpu.memref_squeeze %dma_start3A_207 : memref<1x32x512xf32, #tpu.memory_space<vmem>> -> memref<32x512xf32, #tpu.memory_space<vmem>>
    %dma_start3A_209 = arith.constant 0 : i32
    %dma_start3A_210 = tpu.memref_slice %arg4[%add3A_203, %dma_start3A_209] : memref<16384x512xf32, #tpu.memory_space<hbm>> -> memref<32x512xf32, #tpu.memory_space<hbm>>
    %dma_start3A_211 = arith.constant 0 : i32
    %dma_start3A_212 = tpu.memref_slice %arg4[%add3A_203, %dma_start3A_211] : memref<16384x512xf32, #tpu.memory_space<hbm>> -> memref<32x512xf32, #tpu.memory_space<hbm>>
    %dma_start3A_213 = arith.constant 0 : i32
    %dma_start3A_214 = arith.constant 0 : i32
    %dma_start3A_215 = tpu.memref_slice %arg6[%dma_start3A_204, %dma_start3A_213, %dma_start3A_214] : memref<7x32x512xf32, #tpu.memory_space<vmem>> -> memref<1x32x512xf32, #tpu.memory_space<vmem>>
    %dma_start3A_216 = tpu.memref_squeeze %dma_start3A_215 : memref<1x32x512xf32, #tpu.memory_space<vmem>> -> memref<32x512xf32, #tpu.memory_space<vmem>>
    tpu.enqueue_dma source(%dma_start3A_216 : memref<32x512xf32, #tpu.memory_space<vmem>>) target(%dma_start3A_212 : memref<32x512xf32, #tpu.memory_space<hbm>>) target_semaphore(%arg17 : memref<!tpu.dma_semaphore, #tpu.memory_space<semaphore_mem>>)
    %dma_wait3A_217 = arith.constant 2 : i32
    %dma_wait3A_218 = arith.constant 0 : i32
    %dma_wait3A_219 = arith.constant 0 : i32
    %dma_wait3A_220 = tpu.memref_slice %arg6[%dma_wait3A_217, %dma_wait3A_218, %dma_wait3A_219] : memref<7x32x512xf32, #tpu.memory_space<vmem>> -> memref<1x32x512xf32, #tpu.memory_space<vmem>>
    %dma_wait3A_221 = tpu.memref_squeeze %dma_wait3A_220 : memref<1x32x512xf32, #tpu.memory_space<vmem>> -> memref<32x512xf32, #tpu.memory_space<vmem>>
    %dma_wait3A_222 = arith.constant 0 : i32
    %dma_wait3A_223 = tpu.memref_slice %arg4[%add3A_155, %dma_wait3A_222] : memref<16384x512xf32, #tpu.memory_space<hbm>> -> memref<32x512xf32, #tpu.memory_space<hbm>>
    %dma_wait3A_224 = arith.constant 0 : i32
    %dma_wait3A_225 = tpu.memref_slice %arg4[%add3A_155, %dma_wait3A_224] : memref<16384x512xf32, #tpu.memory_space<hbm>> -> memref<32x512xf32, #tpu.memory_space<hbm>>
    %dma_wait3A_226 = arith.constant 0 : i32
    %dma_wait3A_227 = arith.constant 0 : i32
    %dma_wait3A_228 = tpu.memref_slice %arg6[%dma_wait3A_217, %dma_wait3A_226, %dma_wait3A_227] : memref<7x32x512xf32, #tpu.memory_space<vmem>> -> memref<1x32x512xf32, #tpu.memory_space<vmem>>
    %dma_wait3A_229 = tpu.memref_squeeze %dma_wait3A_228 : memref<1x32x512xf32, #tpu.memory_space<vmem>> -> memref<32x512xf32, #tpu.memory_space<vmem>>
    tpu.wait_dma2 semaphore(%arg16 : memref<!tpu.dma_semaphore, #tpu.memory_space<semaphore_mem>>) src(%dma_wait3A_229 : memref<32x512xf32, #tpu.memory_space<vmem>>) dst(%dma_wait3A_225 : memref<32x512xf32, #tpu.memory_space<hbm>>)
    %dma_start3A_230 = arith.constant 2 : i32
    %dma_start3A_231 = arith.constant 0 : i32
    %dma_start3A_232 = arith.constant 0 : i32
    %dma_start3A_233 = tpu.memref_slice %arg6[%dma_start3A_230, %dma_start3A_231, %dma_start3A_232] : memref<7x32x512xf32, #tpu.memory_space<vmem>> -> memref<1x32x512xf32, #tpu.memory_space<vmem>>
    %dma_start3A_234 = tpu.memref_squeeze %dma_start3A_233 : memref<1x32x512xf32, #tpu.memory_space<vmem>> -> memref<32x512xf32, #tpu.memory_space<vmem>>
    %dma_start3A_235 = arith.constant 288 : i32
    %dma_start3A_236 = tpu.memref_slice %arg5[%dma_start3A_235] : memref<512xi32, #tpu.memory_space<vmem>> -> memref<32xi32, #tpu.memory_space<vmem>>
    %dma_start3A_237 = arith.constant 0 : i32
    %dma_start3A_238 = arith.constant 0 : i32
    %dma_start3A_239 = tpu.memref_slice %arg3[%dma_start3A_237, %dma_start3A_238] : memref<10000x512xf32, #tpu.memory_space<hbm>> -> memref<10000x512xf32, #tpu.memory_space<hbm>>
    tpu.enqueue_indirect_dma source(%dma_start3A_239 : memref<10000x512xf32, #tpu.memory_space<hbm>>) target(%dma_start3A_234 : memref<32x512xf32, #tpu.memory_space<vmem>>) offsets(%dma_start3A_236 : memref<32xi32, #tpu.memory_space<vmem>>) semaphore(%arg9 : memref<!tpu.dma_semaphore, #tpu.memory_space<semaphore_mem>>)
    %dma_wait3A_240 = arith.constant 4 : i32
    %dma_wait3A_241 = arith.constant 0 : i32
    %dma_wait3A_242 = arith.constant 0 : i32
    %dma_wait3A_243 = tpu.memref_slice %arg6[%dma_wait3A_240, %dma_wait3A_241, %dma_wait3A_242] : memref<7x32x512xf32, #tpu.memory_space<vmem>> -> memref<1x32x512xf32, #tpu.memory_space<vmem>>
    %dma_wait3A_244 = tpu.memref_squeeze %dma_wait3A_243 : memref<1x32x512xf32, #tpu.memory_space<vmem>> -> memref<32x512xf32, #tpu.memory_space<vmem>>
    %dma_wait3A_245 = arith.constant 128 : i32
    %dma_wait3A_246 = tpu.memref_slice %arg5[%dma_wait3A_245] : memref<512xi32, #tpu.memory_space<vmem>> -> memref<32xi32, #tpu.memory_space<vmem>>
    %dma_wait3A_247 = arith.constant 0 : i32
    %dma_wait3A_248 = arith.constant 0 : i32
    %dma_wait3A_249 = tpu.memref_slice %arg3[%dma_wait3A_247, %dma_wait3A_248] : memref<10000x512xf32, #tpu.memory_space<hbm>> -> memref<10000x512xf32, #tpu.memory_space<hbm>>
    tpu.wait_indirect_dma semaphore(%arg11 : memref<!tpu.dma_semaphore, #tpu.memory_space<semaphore_mem>>) src(%dma_wait3A_249 : memref<10000x512xf32, #tpu.memory_space<hbm>>) dst(%dma_wait3A_244 : memref<32x512xf32, #tpu.memory_space<vmem>>)
    %add3A_250 = arith.constant 128 : i32
    %add3A_251 = arith.addi %mul3A_2, %add3A_250 : i32
    %dma_start3A_252 = arith.constant 4 : i32
    %dma_start3A_253 = arith.constant 0 : i32
    %dma_start3A_254 = arith.constant 0 : i32
    %dma_start3A_255 = tpu.memref_slice %arg6[%dma_start3A_252, %dma_start3A_253, %dma_start3A_254] : memref<7x32x512xf32, #tpu.memory_space<vmem>> -> memref<1x32x512xf32, #tpu.memory_space<vmem>>
    %dma_start3A_256 = tpu.memref_squeeze %dma_start3A_255 : memref<1x32x512xf32, #tpu.memory_space<vmem>> -> memref<32x512xf32, #tpu.memory_space<vmem>>
    %dma_start3A_257 = arith.constant 0 : i32
    %dma_start3A_258 = tpu.memref_slice %arg4[%add3A_251, %dma_start3A_257] : memref<16384x512xf32, #tpu.memory_space<hbm>> -> memref<32x512xf32, #tpu.memory_space<hbm>>
    %dma_start3A_259 = arith.constant 0 : i32
    %dma_start3A_260 = tpu.memref_slice %arg4[%add3A_251, %dma_start3A_259] : memref<16384x512xf32, #tpu.memory_space<hbm>> -> memref<32x512xf32, #tpu.memory_space<hbm>>
    %dma_start3A_261 = arith.constant 0 : i32
    %dma_start3A_262 = arith.constant 0 : i32
    %dma_start3A_263 = tpu.memref_slice %arg6[%dma_start3A_252, %dma_start3A_261, %dma_start3A_262] : memref<7x32x512xf32, #tpu.memory_space<vmem>> -> memref<1x32x512xf32, #tpu.memory_space<vmem>>
    %dma_start3A_264 = tpu.memref_squeeze %dma_start3A_263 : memref<1x32x512xf32, #tpu.memory_space<vmem>> -> memref<32x512xf32, #tpu.memory_space<vmem>>
    tpu.enqueue_dma source(%dma_start3A_264 : memref<32x512xf32, #tpu.memory_space<vmem>>) target(%dma_start3A_260 : memref<32x512xf32, #tpu.memory_space<hbm>>) target_semaphore(%arg18 : memref<!tpu.dma_semaphore, #tpu.memory_space<semaphore_mem>>)
    %dma_wait3A_265 = arith.constant 3 : i32
    %dma_wait3A_266 = arith.constant 0 : i32
    %dma_wait3A_267 = arith.constant 0 : i32
    %dma_wait3A_268 = tpu.memref_slice %arg6[%dma_wait3A_265, %dma_wait3A_266, %dma_wait3A_267] : memref<7x32x512xf32, #tpu.memory_space<vmem>> -> memref<1x32x512xf32, #tpu.memory_space<vmem>>
    %dma_wait3A_269 = tpu.memref_squeeze %dma_wait3A_268 : memref<1x32x512xf32, #tpu.memory_space<vmem>> -> memref<32x512xf32, #tpu.memory_space<vmem>>
    %dma_wait3A_270 = arith.constant 0 : i32
    %dma_wait3A_271 = tpu.memref_slice %arg4[%add3A_203, %dma_wait3A_270] : memref<16384x512xf32, #tpu.memory_space<hbm>> -> memref<32x512xf32, #tpu.memory_space<hbm>>
    %dma_wait3A_272 = arith.constant 0 : i32
    %dma_wait3A_273 = tpu.memref_slice %arg4[%add3A_203, %dma_wait3A_272] : memref<16384x512xf32, #tpu.memory_space<hbm>> -> memref<32x512xf32, #tpu.memory_space<hbm>>
    %dma_wait3A_274 = arith.constant 0 : i32
    %dma_wait3A_275 = arith.constant 0 : i32
    %dma_wait3A_276 = tpu.memref_slice %arg6[%dma_wait3A_265, %dma_wait3A_274, %dma_wait3A_275] : memref<7x32x512xf32, #tpu.memory_space<vmem>> -> memref<1x32x512xf32, #tpu.memory_space<vmem>>
    %dma_wait3A_277 = tpu.memref_squeeze %dma_wait3A_276 : memref<1x32x512xf32, #tpu.memory_space<vmem>> -> memref<32x512xf32, #tpu.memory_space<vmem>>
    tpu.wait_dma2 semaphore(%arg17 : memref<!tpu.dma_semaphore, #tpu.memory_space<semaphore_mem>>) src(%dma_wait3A_277 : memref<32x512xf32, #tpu.memory_space<vmem>>) dst(%dma_wait3A_273 : memref<32x512xf32, #tpu.memory_space<hbm>>)
    %dma_start3A_278 = arith.constant 3 : i32
    %dma_start3A_279 = arith.constant 0 : i32
    %dma_start3A_280 = arith.constant 0 : i32
    %dma_start3A_281 = tpu.memref_slice %arg6[%dma_start3A_278, %dma_start3A_279, %dma_start3A_280] : memref<7x32x512xf32, #tpu.memory_space<vmem>> -> memref<1x32x512xf32, #tpu.memory_space<vmem>>
    %dma_start3A_282 = tpu.memref_squeeze %dma_start3A_281 : memref<1x32x512xf32, #tpu.memory_space<vmem>> -> memref<32x512xf32, #tpu.memory_space<vmem>>
    %dma_start3A_283 = arith.constant 320 : i32
    %dma_start3A_284 = tpu.memref_slice %arg5[%dma_start3A_283] : memref<512xi32, #tpu.memory_space<vmem>> -> memref<32xi32, #tpu.memory_space<vmem>>
    %dma_start3A_285 = arith.constant 0 : i32
    %dma_start3A_286 = arith.constant 0 : i32
    %dma_start3A_287 = tpu.memref_slice %arg3[%dma_start3A_285, %dma_start3A_286] : memref<10000x512xf32, #tpu.memory_space<hbm>> -> memref<10000x512xf32, #tpu.memory_space<hbm>>
    tpu.enqueue_indirect_dma source(%dma_start3A_287 : memref<10000x512xf32, #tpu.memory_space<hbm>>) target(%dma_start3A_282 : memref<32x512xf32, #tpu.memory_space<vmem>>) offsets(%dma_start3A_284 : memref<32xi32, #tpu.memory_space<vmem>>) semaphore(%arg10 : memref<!tpu.dma_semaphore, #tpu.memory_space<semaphore_mem>>)
    %dma_wait3A_288 = arith.constant 5 : i32
    %dma_wait3A_289 = arith.constant 0 : i32
    %dma_wait3A_290 = arith.constant 0 : i32
    %dma_wait3A_291 = tpu.memref_slice %arg6[%dma_wait3A_288, %dma_wait3A_289, %dma_wait3A_290] : memref<7x32x512xf32, #tpu.memory_space<vmem>> -> memref<1x32x512xf32, #tpu.memory_space<vmem>>
    %dma_wait3A_292 = tpu.memref_squeeze %dma_wait3A_291 : memref<1x32x512xf32, #tpu.memory_space<vmem>> -> memref<32x512xf32, #tpu.memory_space<vmem>>
    %dma_wait3A_293 = arith.constant 160 : i32
    %dma_wait3A_294 = tpu.memref_slice %arg5[%dma_wait3A_293] : memref<512xi32, #tpu.memory_space<vmem>> -> memref<32xi32, #tpu.memory_space<vmem>>
    %dma_wait3A_295 = arith.constant 0 : i32
    %dma_wait3A_296 = arith.constant 0 : i32
    %dma_wait3A_297 = tpu.memref_slice %arg3[%dma_wait3A_295, %dma_wait3A_296] : memref<10000x512xf32, #tpu.memory_space<hbm>> -> memref<10000x512xf32, #tpu.memory_space<hbm>>
    tpu.wait_indirect_dma semaphore(%arg12 : memref<!tpu.dma_semaphore, #tpu.memory_space<semaphore_mem>>) src(%dma_wait3A_297 : memref<10000x512xf32, #tpu.memory_space<hbm>>) dst(%dma_wait3A_292 : memref<32x512xf32, #tpu.memory_space<vmem>>)
    %add3A_298 = arith.constant 160 : i32
    %add3A_299 = arith.addi %mul3A_2, %add3A_298 : i32
    %dma_start3A_300 = arith.constant 5 : i32
    %dma_start3A_301 = arith.constant 0 : i32
    %dma_start3A_302 = arith.constant 0 : i32
    %dma_start3A_303 = tpu.memref_slice %arg6[%dma_start3A_300, %dma_start3A_301, %dma_start3A_302] : memref<7x32x512xf32, #tpu.memory_space<vmem>> -> memref<1x32x512xf32, #tpu.memory_space<vmem>>
    %dma_start3A_304 = tpu.memref_squeeze %dma_start3A_303 : memref<1x32x512xf32, #tpu.memory_space<vmem>> -> memref<32x512xf32, #tpu.memory_space<vmem>>
    %dma_start3A_305 = arith.constant 0 : i32
    %dma_start3A_306 = tpu.memref_slice %arg4[%add3A_299, %dma_start3A_305] : memref<16384x512xf32, #tpu.memory_space<hbm>> -> memref<32x512xf32, #tpu.memory_space<hbm>>
    %dma_start3A_307 = arith.constant 0 : i32
    %dma_start3A_308 = tpu.memref_slice %arg4[%add3A_299, %dma_start3A_307] : memref<16384x512xf32, #tpu.memory_space<hbm>> -> memref<32x512xf32, #tpu.memory_space<hbm>>
    %dma_start3A_309 = arith.constant 0 : i32
    %dma_start3A_310 = arith.constant 0 : i32
    %dma_start3A_311 = tpu.memref_slice %arg6[%dma_start3A_300, %dma_start3A_309, %dma_start3A_310] : memref<7x32x512xf32, #tpu.memory_space<vmem>> -> memref<1x32x512xf32, #tpu.memory_space<vmem>>
    %dma_start3A_312 = tpu.memref_squeeze %dma_start3A_311 : memref<1x32x512xf32, #tpu.memory_space<vmem>> -> memref<32x512xf32, #tpu.memory_space<vmem>>
    tpu.enqueue_dma source(%dma_start3A_312 : memref<32x512xf32, #tpu.memory_space<vmem>>) target(%dma_start3A_308 : memref<32x512xf32, #tpu.memory_space<hbm>>) target_semaphore(%arg19 : memref<!tpu.dma_semaphore, #tpu.memory_space<semaphore_mem>>)
    %dma_wait3A_313 = arith.constant 4 : i32
    %dma_wait3A_314 = arith.constant 0 : i32
    %dma_wait3A_315 = arith.constant 0 : i32
    %dma_wait3A_316 = tpu.memref_slice %arg6[%dma_wait3A_313, %dma_wait3A_314, %dma_wait3A_315] : memref<7x32x512xf32, #tpu.memory_space<vmem>> -> memref<1x32x512xf32, #tpu.memory_space<vmem>>
    %dma_wait3A_317 = tpu.memref_squeeze %dma_wait3A_316 : memref<1x32x512xf32, #tpu.memory_space<vmem>> -> memref<32x512xf32, #tpu.memory_space<vmem>>
    %dma_wait3A_318 = arith.constant 0 : i32
    %dma_wait3A_319 = tpu.memref_slice %arg4[%add3A_251, %dma_wait3A_318] : memref<16384x512xf32, #tpu.memory_space<hbm>> -> memref<32x512xf32, #tpu.memory_space<hbm>>
    %dma_wait3A_320 = arith.constant 0 : i32
    %dma_wait3A_321 = tpu.memref_slice %arg4[%add3A_251, %dma_wait3A_320] : memref<16384x512xf32, #tpu.memory_space<hbm>> -> memref<32x512xf32, #tpu.memory_space<hbm>>
    %dma_wait3A_322 = arith.constant 0 : i32
    %dma_wait3A_323 = arith.constant 0 : i32
    %dma_wait3A_324 = tpu.memref_slice %arg6[%dma_wait3A_313, %dma_wait3A_322, %dma_wait3A_323] : memref<7x32x512xf32, #tpu.memory_space<vmem>> -> memref<1x32x512xf32, #tpu.memory_space<vmem>>
    %dma_wait3A_325 = tpu.memref_squeeze %dma_wait3A_324 : memref<1x32x512xf32, #tpu.memory_space<vmem>> -> memref<32x512xf32, #tpu.memory_space<vmem>>
    tpu.wait_dma2 semaphore(%arg18 : memref<!tpu.dma_semaphore, #tpu.memory_space<semaphore_mem>>) src(%dma_wait3A_325 : memref<32x512xf32, #tpu.memory_space<vmem>>) dst(%dma_wait3A_321 : memref<32x512xf32, #tpu.memory_space<hbm>>)
    %dma_start3A_326 = arith.constant 4 : i32
    %dma_start3A_327 = arith.constant 0 : i32
    %dma_start3A_328 = arith.constant 0 : i32
    %dma_start3A_329 = tpu.memref_slice %arg6[%dma_start3A_326, %dma_start3A_327, %dma_start3A_328] : memref<7x32x512xf32, #tpu.memory_space<vmem>> -> memref<1x32x512xf32, #tpu.memory_space<vmem>>
    %dma_start3A_330 = tpu.memref_squeeze %dma_start3A_329 : memref<1x32x512xf32, #tpu.memory_space<vmem>> -> memref<32x512xf32, #tpu.memory_space<vmem>>
    %dma_start3A_331 = arith.constant 352 : i32
    %dma_start3A_332 = tpu.memref_slice %arg5[%dma_start3A_331] : memref<512xi32, #tpu.memory_space<vmem>> -> memref<32xi32, #tpu.memory_space<vmem>>
    %dma_start3A_333 = arith.constant 0 : i32
    %dma_start3A_334 = arith.constant 0 : i32
    %dma_start3A_335 = tpu.memref_slice %arg3[%dma_start3A_333, %dma_start3A_334] : memref<10000x512xf32, #tpu.memory_space<hbm>> -> memref<10000x512xf32, #tpu.memory_space<hbm>>
    tpu.enqueue_indirect_dma source(%dma_start3A_335 : memref<10000x512xf32, #tpu.memory_space<hbm>>) target(%dma_start3A_330 : memref<32x512xf32, #tpu.memory_space<vmem>>) offsets(%dma_start3A_332 : memref<32xi32, #tpu.memory_space<vmem>>) semaphore(%arg11 : memref<!tpu.dma_semaphore, #tpu.memory_space<semaphore_mem>>)
    %dma_wait3A_336 = arith.constant 6 : i32
    %dma_wait3A_337 = arith.constant 0 : i32
    %dma_wait3A_338 = arith.constant 0 : i32
    %dma_wait3A_339 = tpu.memref_slice %arg6[%dma_wait3A_336, %dma_wait3A_337, %dma_wait3A_338] : memref<7x32x512xf32, #tpu.memory_space<vmem>> -> memref<1x32x512xf32, #tpu.memory_space<vmem>>
    %dma_wait3A_340 = tpu.memref_squeeze %dma_wait3A_339 : memref<1x32x512xf32, #tpu.memory_space<vmem>> -> memref<32x512xf32, #tpu.memory_space<vmem>>
    %dma_wait3A_341 = arith.constant 192 : i32
    %dma_wait3A_342 = tpu.memref_slice %arg5[%dma_wait3A_341] : memref<512xi32, #tpu.memory_space<vmem>> -> memref<32xi32, #tpu.memory_space<vmem>>
    %dma_wait3A_343 = arith.constant 0 : i32
    %dma_wait3A_344 = arith.constant 0 : i32
    %dma_wait3A_345 = tpu.memref_slice %arg3[%dma_wait3A_343, %dma_wait3A_344] : memref<10000x512xf32, #tpu.memory_space<hbm>> -> memref<10000x512xf32, #tpu.memory_space<hbm>>
    tpu.wait_indirect_dma semaphore(%arg13 : memref<!tpu.dma_semaphore, #tpu.memory_space<semaphore_mem>>) src(%dma_wait3A_345 : memref<10000x512xf32, #tpu.memory_space<hbm>>) dst(%dma_wait3A_340 : memref<32x512xf32, #tpu.memory_space<vmem>>)
    %add3A_346 = arith.constant 192 : i32
    %add3A_347 = arith.addi %mul3A_2, %add3A_346 : i32
    %dma_start3A_348 = arith.constant 6 : i32
    %dma_start3A_349 = arith.constant 0 : i32
    %dma_start3A_350 = arith.constant 0 : i32
    %dma_start3A_351 = tpu.memref_slice %arg6[%dma_start3A_348, %dma_start3A_349, %dma_start3A_350] : memref<7x32x512xf32, #tpu.memory_space<vmem>> -> memref<1x32x512xf32, #tpu.memory_space<vmem>>
    %dma_start3A_352 = tpu.memref_squeeze %dma_start3A_351 : memref<1x32x512xf32, #tpu.memory_space<vmem>> -> memref<32x512xf32, #tpu.memory_space<vmem>>
    %dma_start3A_353 = arith.constant 0 : i32
    %dma_start3A_354 = tpu.memref_slice %arg4[%add3A_347, %dma_start3A_353] : memref<16384x512xf32, #tpu.memory_space<hbm>> -> memref<32x512xf32, #tpu.memory_space<hbm>>
    %dma_start3A_355 = arith.constant 0 : i32
    %dma_start3A_356 = tpu.memref_slice %arg4[%add3A_347, %dma_start3A_355] : memref<16384x512xf32, #tpu.memory_space<hbm>> -> memref<32x512xf32, #tpu.memory_space<hbm>>
    %dma_start3A_357 = arith.constant 0 : i32
    %dma_start3A_358 = arith.constant 0 : i32
    %dma_start3A_359 = tpu.memref_slice %arg6[%dma_start3A_348, %dma_start3A_357, %dma_start3A_358] : memref<7x32x512xf32, #tpu.memory_space<vmem>> -> memref<1x32x512xf32, #tpu.memory_space<vmem>>
    %dma_start3A_360 = tpu.memref_squeeze %dma_start3A_359 : memref<1x32x512xf32, #tpu.memory_space<vmem>> -> memref<32x512xf32, #tpu.memory_space<vmem>>
    tpu.enqueue_dma source(%dma_start3A_360 : memref<32x512xf32, #tpu.memory_space<vmem>>) target(%dma_start3A_356 : memref<32x512xf32, #tpu.memory_space<hbm>>) target_semaphore(%arg20 : memref<!tpu.dma_semaphore, #tpu.memory_space<semaphore_mem>>)
    %dma_wait3A_361 = arith.constant 5 : i32
    %dma_wait3A_362 = arith.constant 0 : i32
    %dma_wait3A_363 = arith.constant 0 : i32
    %dma_wait3A_364 = tpu.memref_slice %arg6[%dma_wait3A_361, %dma_wait3A_362, %dma_wait3A_363] : memref<7x32x512xf32, #tpu.memory_space<vmem>> -> memref<1x32x512xf32, #tpu.memory_space<vmem>>
    %dma_wait3A_365 = tpu.memref_squeeze %dma_wait3A_364 : memref<1x32x512xf32, #tpu.memory_space<vmem>> -> memref<32x512xf32, #tpu.memory_space<vmem>>
    %dma_wait3A_366 = arith.constant 0 : i32
    %dma_wait3A_367 = tpu.memref_slice %arg4[%add3A_299, %dma_wait3A_366] : memref<16384x512xf32, #tpu.memory_space<hbm>> -> memref<32x512xf32, #tpu.memory_space<hbm>>
    %dma_wait3A_368 = arith.constant 0 : i32
    %dma_wait3A_369 = tpu.memref_slice %arg4[%add3A_299, %dma_wait3A_368] : memref<16384x512xf32, #tpu.memory_space<hbm>> -> memref<32x512xf32, #tpu.memory_space<hbm>>
    %dma_wait3A_370 = arith.constant 0 : i32
    %dma_wait3A_371 = arith.constant 0 : i32
    %dma_wait3A_372 = tpu.memref_slice %arg6[%dma_wait3A_361, %dma_wait3A_370, %dma_wait3A_371] : memref<7x32x512xf32, #tpu.memory_space<vmem>> -> memref<1x32x512xf32, #tpu.memory_space<vmem>>
    %dma_wait3A_373 = tpu.memref_squeeze %dma_wait3A_372 : memref<1x32x512xf32, #tpu.memory_space<vmem>> -> memref<32x512xf32, #tpu.memory_space<vmem>>
    tpu.wait_dma2 semaphore(%arg19 : memref<!tpu.dma_semaphore, #tpu.memory_space<semaphore_mem>>) src(%dma_wait3A_373 : memref<32x512xf32, #tpu.memory_space<vmem>>) dst(%dma_wait3A_369 : memref<32x512xf32, #tpu.memory_space<hbm>>)
    %dma_start3A_374 = arith.constant 5 : i32
    %dma_start3A_375 = arith.constant 0 : i32
    %dma_start3A_376 = arith.constant 0 : i32
    %dma_start3A_377 = tpu.memref_slice %arg6[%dma_start3A_374, %dma_start3A_375, %dma_start3A_376] : memref<7x32x512xf32, #tpu.memory_space<vmem>> -> memref<1x32x512xf32, #tpu.memory_space<vmem>>
    %dma_start3A_378 = tpu.memref_squeeze %dma_start3A_377 : memref<1x32x512xf32, #tpu.memory_space<vmem>> -> memref<32x512xf32, #tpu.memory_space<vmem>>
    %dma_start3A_379 = arith.constant 384 : i32
    %dma_start3A_380 = tpu.memref_slice %arg5[%dma_start3A_379] : memref<512xi32, #tpu.memory_space<vmem>> -> memref<32xi32, #tpu.memory_space<vmem>>
    %dma_start3A_381 = arith.constant 0 : i32
    %dma_start3A_382 = arith.constant 0 : i32
    %dma_start3A_383 = tpu.memref_slice %arg3[%dma_start3A_381, %dma_start3A_382] : memref<10000x512xf32, #tpu.memory_space<hbm>> -> memref<10000x512xf32, #tpu.memory_space<hbm>>
    tpu.enqueue_indirect_dma source(%dma_start3A_383 : memref<10000x512xf32, #tpu.memory_space<hbm>>) target(%dma_start3A_378 : memref<32x512xf32, #tpu.memory_space<vmem>>) offsets(%dma_start3A_380 : memref<32xi32, #tpu.memory_space<vmem>>) semaphore(%arg12 : memref<!tpu.dma_semaphore, #tpu.memory_space<semaphore_mem>>)
    %dma_wait3A_384 = arith.constant 0 : i32
    %dma_wait3A_385 = arith.constant 0 : i32
    %dma_wait3A_386 = arith.constant 0 : i32
    %dma_wait3A_387 = tpu.memref_slice %arg6[%dma_wait3A_384, %dma_wait3A_385, %dma_wait3A_386] : memref<7x32x512xf32, #tpu.memory_space<vmem>> -> memref<1x32x512xf32, #tpu.memory_space<vmem>>
    %dma_wait3A_388 = tpu.memref_squeeze %dma_wait3A_387 : memref<1x32x512xf32, #tpu.memory_space<vmem>> -> memref<32x512xf32, #tpu.memory_space<vmem>>
    %dma_wait3A_389 = arith.constant 224 : i32
    %dma_wait3A_390 = tpu.memref_slice %arg5[%dma_wait3A_389] : memref<512xi32, #tpu.memory_space<vmem>> -> memref<32xi32, #tpu.memory_space<vmem>>
    %dma_wait3A_391 = arith.constant 0 : i32
    %dma_wait3A_392 = arith.constant 0 : i32
    %dma_wait3A_393 = tpu.memref_slice %arg3[%dma_wait3A_391, %dma_wait3A_392] : memref<10000x512xf32, #tpu.memory_space<hbm>> -> memref<10000x512xf32, #tpu.memory_space<hbm>>
    tpu.wait_indirect_dma semaphore(%arg7 : memref<!tpu.dma_semaphore, #tpu.memory_space<semaphore_mem>>) src(%dma_wait3A_393 : memref<10000x512xf32, #tpu.memory_space<hbm>>) dst(%dma_wait3A_388 : memref<32x512xf32, #tpu.memory_space<vmem>>)
    %add3A_394 = arith.constant 224 : i32
    %add3A_395 = arith.addi %mul3A_2, %add3A_394 : i32
    %dma_start3A_396 = arith.constant 0 : i32
    %dma_start3A_397 = arith.constant 0 : i32
    %dma_start3A_398 = arith.constant 0 : i32
    %dma_start3A_399 = tpu.memref_slice %arg6[%dma_start3A_396, %dma_start3A_397, %dma_start3A_398] : memref<7x32x512xf32, #tpu.memory_space<vmem>> -> memref<1x32x512xf32, #tpu.memory_space<vmem>>
    %dma_start3A_400 = tpu.memref_squeeze %dma_start3A_399 : memref<1x32x512xf32, #tpu.memory_space<vmem>> -> memref<32x512xf32, #tpu.memory_space<vmem>>
    %dma_start3A_401 = arith.constant 0 : i32
    %dma_start3A_402 = tpu.memref_slice %arg4[%add3A_395, %dma_start3A_401] : memref<16384x512xf32, #tpu.memory_space<hbm>> -> memref<32x512xf32, #tpu.memory_space<hbm>>
    %dma_start3A_403 = arith.constant 0 : i32
    %dma_start3A_404 = tpu.memref_slice %arg4[%add3A_395, %dma_start3A_403] : memref<16384x512xf32, #tpu.memory_space<hbm>> -> memref<32x512xf32, #tpu.memory_space<hbm>>
    %dma_start3A_405 = arith.constant 0 : i32
    %dma_start3A_406 = arith.constant 0 : i32
    %dma_start3A_407 = tpu.memref_slice %arg6[%dma_start3A_396, %dma_start3A_405, %dma_start3A_406] : memref<7x32x512xf32, #tpu.memory_space<vmem>> -> memref<1x32x512xf32, #tpu.memory_space<vmem>>
    %dma_start3A_408 = tpu.memref_squeeze %dma_start3A_407 : memref<1x32x512xf32, #tpu.memory_space<vmem>> -> memref<32x512xf32, #tpu.memory_space<vmem>>
    tpu.enqueue_dma source(%dma_start3A_408 : memref<32x512xf32, #tpu.memory_space<vmem>>) target(%dma_start3A_404 : memref<32x512xf32, #tpu.memory_space<hbm>>) target_semaphore(%arg14 : memref<!tpu.dma_semaphore, #tpu.memory_space<semaphore_mem>>)
    %dma_wait3A_409 = arith.constant 6 : i32
    %dma_wait3A_410 = arith.constant 0 : i32
    %dma_wait3A_411 = arith.constant 0 : i32
    %dma_wait3A_412 = tpu.memref_slice %arg6[%dma_wait3A_409, %dma_wait3A_410, %dma_wait3A_411] : memref<7x32x512xf32, #tpu.memory_space<vmem>> -> memref<1x32x512xf32, #tpu.memory_space<vmem>>
    %dma_wait3A_413 = tpu.memref_squeeze %dma_wait3A_412 : memref<1x32x512xf32, #tpu.memory_space<vmem>> -> memref<32x512xf32, #tpu.memory_space<vmem>>
    %dma_wait3A_414 = arith.constant 0 : i32
    %dma_wait3A_415 = tpu.memref_slice %arg4[%add3A_347, %dma_wait3A_414] : memref<16384x512xf32, #tpu.memory_space<hbm>> -> memref<32x512xf32, #tpu.memory_space<hbm>>
    %dma_wait3A_416 = arith.constant 0 : i32
    %dma_wait3A_417 = tpu.memref_slice %arg4[%add3A_347, %dma_wait3A_416] : memref<16384x512xf32, #tpu.memory_space<hbm>> -> memref<32x512xf32, #tpu.memory_space<hbm>>
    %dma_wait3A_418 = arith.constant 0 : i32
    %dma_wait3A_419 = arith.constant 0 : i32
    %dma_wait3A_420 = tpu.memref_slice %arg6[%dma_wait3A_409, %dma_wait3A_418, %dma_wait3A_419] : memref<7x32x512xf32, #tpu.memory_space<vmem>> -> memref<1x32x512xf32, #tpu.memory_space<vmem>>
    %dma_wait3A_421 = tpu.memref_squeeze %dma_wait3A_420 : memref<1x32x512xf32, #tpu.memory_space<vmem>> -> memref<32x512xf32, #tpu.memory_space<vmem>>
    tpu.wait_dma2 semaphore(%arg20 : memref<!tpu.dma_semaphore, #tpu.memory_space<semaphore_mem>>) src(%dma_wait3A_421 : memref<32x512xf32, #tpu.memory_space<vmem>>) dst(%dma_wait3A_417 : memref<32x512xf32, #tpu.memory_space<hbm>>)
    %dma_start3A_422 = arith.constant 6 : i32
    %dma_start3A_423 = arith.constant 0 : i32
    %dma_start3A_424 = arith.constant 0 : i32
    %dma_start3A_425 = tpu.memref_slice %arg6[%dma_start3A_422, %dma_start3A_423, %dma_start3A_424] : memref<7x32x512xf32, #tpu.memory_space<vmem>> -> memref<1x32x512xf32, #tpu.memory_space<vmem>>
    %dma_start3A_426 = tpu.memref_squeeze %dma_start3A_425 : memref<1x32x512xf32, #tpu.memory_space<vmem>> -> memref<32x512xf32, #tpu.memory_space<vmem>>
    %dma_start3A_427 = arith.constant 416 : i32
    %dma_start3A_428 = tpu.memref_slice %arg5[%dma_start3A_427] : memref<512xi32, #tpu.memory_space<vmem>> -> memref<32xi32, #tpu.memory_space<vmem>>
    %dma_start3A_429 = arith.constant 0 : i32
    %dma_start3A_430 = arith.constant 0 : i32
    %dma_start3A_431 = tpu.memref_slice %arg3[%dma_start3A_429, %dma_start3A_430] : memref<10000x512xf32, #tpu.memory_space<hbm>> -> memref<10000x512xf32, #tpu.memory_space<hbm>>
    tpu.enqueue_indirect_dma source(%dma_start3A_431 : memref<10000x512xf32, #tpu.memory_space<hbm>>) target(%dma_start3A_426 : memref<32x512xf32, #tpu.memory_space<vmem>>) offsets(%dma_start3A_428 : memref<32xi32, #tpu.memory_space<vmem>>) semaphore(%arg13 : memref<!tpu.dma_semaphore, #tpu.memory_space<semaphore_mem>>)
    %dma_wait3A_432 = arith.constant 1 : i32
    %dma_wait3A_433 = arith.constant 0 : i32
    %dma_wait3A_434 = arith.constant 0 : i32
    %dma_wait3A_435 = tpu.memref_slice %arg6[%dma_wait3A_432, %dma_wait3A_433, %dma_wait3A_434] : memref<7x32x512xf32, #tpu.memory_space<vmem>> -> memref<1x32x512xf32, #tpu.memory_space<vmem>>
    %dma_wait3A_436 = tpu.memref_squeeze %dma_wait3A_435 : memref<1x32x512xf32, #tpu.memory_space<vmem>> -> memref<32x512xf32, #tpu.memory_space<vmem>>
    %dma_wait3A_437 = arith.constant 256 : i32
    %dma_wait3A_438 = tpu.memref_slice %arg5[%dma_wait3A_437] : memref<512xi32, #tpu.memory_space<vmem>> -> memref<32xi32, #tpu.memory_space<vmem>>
    %dma_wait3A_439 = arith.constant 0 : i32
    %dma_wait3A_440 = arith.constant 0 : i32
    %dma_wait3A_441 = tpu.memref_slice %arg3[%dma_wait3A_439, %dma_wait3A_440] : memref<10000x512xf32, #tpu.memory_space<hbm>> -> memref<10000x512xf32, #tpu.memory_space<hbm>>
    tpu.wait_indirect_dma semaphore(%arg8 : memref<!tpu.dma_semaphore, #tpu.memory_space<semaphore_mem>>) src(%dma_wait3A_441 : memref<10000x512xf32, #tpu.memory_space<hbm>>) dst(%dma_wait3A_436 : memref<32x512xf32, #tpu.memory_space<vmem>>)
    %add3A_442 = arith.constant 256 : i32
    %add3A_443 = arith.addi %mul3A_2, %add3A_442 : i32
    %dma_start3A_444 = arith.constant 1 : i32
    %dma_start3A_445 = arith.constant 0 : i32
    %dma_start3A_446 = arith.constant 0 : i32
    %dma_start3A_447 = tpu.memref_slice %arg6[%dma_start3A_444, %dma_start3A_445, %dma_start3A_446] : memref<7x32x512xf32, #tpu.memory_space<vmem>> -> memref<1x32x512xf32, #tpu.memory_space<vmem>>
    %dma_start3A_448 = tpu.memref_squeeze %dma_start3A_447 : memref<1x32x512xf32, #tpu.memory_space<vmem>> -> memref<32x512xf32, #tpu.memory_space<vmem>>
    %dma_start3A_449 = arith.constant 0 : i32
    %dma_start3A_450 = tpu.memref_slice %arg4[%add3A_443, %dma_start3A_449] : memref<16384x512xf32, #tpu.memory_space<hbm>> -> memref<32x512xf32, #tpu.memory_space<hbm>>
    %dma_start3A_451 = arith.constant 0 : i32
    %dma_start3A_452 = tpu.memref_slice %arg4[%add3A_443, %dma_start3A_451] : memref<16384x512xf32, #tpu.memory_space<hbm>> -> memref<32x512xf32, #tpu.memory_space<hbm>>
    %dma_start3A_453 = arith.constant 0 : i32
    %dma_start3A_454 = arith.constant 0 : i32
    %dma_start3A_455 = tpu.memref_slice %arg6[%dma_start3A_444, %dma_start3A_453, %dma_start3A_454] : memref<7x32x512xf32, #tpu.memory_space<vmem>> -> memref<1x32x512xf32, #tpu.memory_space<vmem>>
    %dma_start3A_456 = tpu.memref_squeeze %dma_start3A_455 : memref<1x32x512xf32, #tpu.memory_space<vmem>> -> memref<32x512xf32, #tpu.memory_space<vmem>>
    tpu.enqueue_dma source(%dma_start3A_456 : memref<32x512xf32, #tpu.memory_space<vmem>>) target(%dma_start3A_452 : memref<32x512xf32, #tpu.memory_space<hbm>>) target_semaphore(%arg15 : memref<!tpu.dma_semaphore, #tpu.memory_space<semaphore_mem>>)
    %dma_wait3A_457 = arith.constant 0 : i32
    %dma_wait3A_458 = arith.constant 0 : i32
    %dma_wait3A_459 = arith.constant 0 : i32
    %dma_wait3A_460 = tpu.memref_slice %arg6[%dma_wait3A_457, %dma_wait3A_458, %dma_wait3A_459] : memref<7x32x512xf32, #tpu.memory_space<vmem>> -> memref<1x32x512xf32, #tpu.memory_space<vmem>>
    %dma_wait3A_461 = tpu.memref_squeeze %dma_wait3A_460 : memref<1x32x512xf32, #tpu.memory_space<vmem>> -> memref<32x512xf32, #tpu.memory_space<vmem>>
    %dma_wait3A_462 = arith.constant 0 : i32
    %dma_wait3A_463 = tpu.memref_slice %arg4[%add3A_395, %dma_wait3A_462] : memref<16384x512xf32, #tpu.memory_space<hbm>> -> memref<32x512xf32, #tpu.memory_space<hbm>>
    %dma_wait3A_464 = arith.constant 0 : i32
    %dma_wait3A_465 = tpu.memref_slice %arg4[%add3A_395, %dma_wait3A_464] : memref<16384x512xf32, #tpu.memory_space<hbm>> -> memref<32x512xf32, #tpu.memory_space<hbm>>
    %dma_wait3A_466 = arith.constant 0 : i32
    %dma_wait3A_467 = arith.constant 0 : i32
    %dma_wait3A_468 = tpu.memref_slice %arg6[%dma_wait3A_457, %dma_wait3A_466, %dma_wait3A_467] : memref<7x32x512xf32, #tpu.memory_space<vmem>> -> memref<1x32x512xf32, #tpu.memory_space<vmem>>
    %dma_wait3A_469 = tpu.memref_squeeze %dma_wait3A_468 : memref<1x32x512xf32, #tpu.memory_space<vmem>> -> memref<32x512xf32, #tpu.memory_space<vmem>>
    tpu.wait_dma2 semaphore(%arg14 : memref<!tpu.dma_semaphore, #tpu.memory_space<semaphore_mem>>) src(%dma_wait3A_469 : memref<32x512xf32, #tpu.memory_space<vmem>>) dst(%dma_wait3A_465 : memref<32x512xf32, #tpu.memory_space<hbm>>)
    %dma_start3A_470 = arith.constant 0 : i32
    %dma_start3A_471 = arith.constant 0 : i32
    %dma_start3A_472 = arith.constant 0 : i32
    %dma_start3A_473 = tpu.memref_slice %arg6[%dma_start3A_470, %dma_start3A_471, %dma_start3A_472] : memref<7x32x512xf32, #tpu.memory_space<vmem>> -> memref<1x32x512xf32, #tpu.memory_space<vmem>>
    %dma_start3A_474 = tpu.memref_squeeze %dma_start3A_473 : memref<1x32x512xf32, #tpu.memory_space<vmem>> -> memref<32x512xf32, #tpu.memory_space<vmem>>
    %dma_start3A_475 = arith.constant 448 : i32
    %dma_start3A_476 = tpu.memref_slice %arg5[%dma_start3A_475] : memref<512xi32, #tpu.memory_space<vmem>> -> memref<32xi32, #tpu.memory_space<vmem>>
    %dma_start3A_477 = arith.constant 0 : i32
    %dma_start3A_478 = arith.constant 0 : i32
    %dma_start3A_479 = tpu.memref_slice %arg3[%dma_start3A_477, %dma_start3A_478] : memref<10000x512xf32, #tpu.memory_space<hbm>> -> memref<10000x512xf32, #tpu.memory_space<hbm>>
    tpu.enqueue_indirect_dma source(%dma_start3A_479 : memref<10000x512xf32, #tpu.memory_space<hbm>>) target(%dma_start3A_474 : memref<32x512xf32, #tpu.memory_space<vmem>>) offsets(%dma_start3A_476 : memref<32xi32, #tpu.memory_space<vmem>>) semaphore(%arg7 : memref<!tpu.dma_semaphore, #tpu.memory_space<semaphore_mem>>)
    %dma_wait3A_480 = arith.constant 2 : i32
    %dma_wait3A_481 = arith.constant 0 : i32
    %dma_wait3A_482 = arith.constant 0 : i32
    %dma_wait3A_483 = tpu.memref_slice %arg6[%dma_wait3A_480, %dma_wait3A_481, %dma_wait3A_482] : memref<7x32x512xf32, #tpu.memory_space<vmem>> -> memref<1x32x512xf32, #tpu.memory_space<vmem>>
    %dma_wait3A_484 = tpu.memref_squeeze %dma_wait3A_483 : memref<1x32x512xf32, #tpu.memory_space<vmem>> -> memref<32x512xf32, #tpu.memory_space<vmem>>
    %dma_wait3A_485 = arith.constant 288 : i32
    %dma_wait3A_486 = tpu.memref_slice %arg5[%dma_wait3A_485] : memref<512xi32, #tpu.memory_space<vmem>> -> memref<32xi32, #tpu.memory_space<vmem>>
    %dma_wait3A_487 = arith.constant 0 : i32
    %dma_wait3A_488 = arith.constant 0 : i32
    %dma_wait3A_489 = tpu.memref_slice %arg3[%dma_wait3A_487, %dma_wait3A_488] : memref<10000x512xf32, #tpu.memory_space<hbm>> -> memref<10000x512xf32, #tpu.memory_space<hbm>>
    tpu.wait_indirect_dma semaphore(%arg9 : memref<!tpu.dma_semaphore, #tpu.memory_space<semaphore_mem>>) src(%dma_wait3A_489 : memref<10000x512xf32, #tpu.memory_space<hbm>>) dst(%dma_wait3A_484 : memref<32x512xf32, #tpu.memory_space<vmem>>)
    %add3A_490 = arith.constant 288 : i32
    %add3A_491 = arith.addi %mul3A_2, %add3A_490 : i32
    %dma_start3A_492 = arith.constant 2 : i32
    %dma_start3A_493 = arith.constant 0 : i32
    %dma_start3A_494 = arith.constant 0 : i32
    %dma_start3A_495 = tpu.memref_slice %arg6[%dma_start3A_492, %dma_start3A_493, %dma_start3A_494] : memref<7x32x512xf32, #tpu.memory_space<vmem>> -> memref<1x32x512xf32, #tpu.memory_space<vmem>>
    %dma_start3A_496 = tpu.memref_squeeze %dma_start3A_495 : memref<1x32x512xf32, #tpu.memory_space<vmem>> -> memref<32x512xf32, #tpu.memory_space<vmem>>
    %dma_start3A_497 = arith.constant 0 : i32
    %dma_start3A_498 = tpu.memref_slice %arg4[%add3A_491, %dma_start3A_497] : memref<16384x512xf32, #tpu.memory_space<hbm>> -> memref<32x512xf32, #tpu.memory_space<hbm>>
    %dma_start3A_499 = arith.constant 0 : i32
    %dma_start3A_500 = tpu.memref_slice %arg4[%add3A_491, %dma_start3A_499] : memref<16384x512xf32, #tpu.memory_space<hbm>> -> memref<32x512xf32, #tpu.memory_space<hbm>>
    %dma_start3A_501 = arith.constant 0 : i32
    %dma_start3A_502 = arith.constant 0 : i32
    %dma_start3A_503 = tpu.memref_slice %arg6[%dma_start3A_492, %dma_start3A_501, %dma_start3A_502] : memref<7x32x512xf32, #tpu.memory_space<vmem>> -> memref<1x32x512xf32, #tpu.memory_space<vmem>>
    %dma_start3A_504 = tpu.memref_squeeze %dma_start3A_503 : memref<1x32x512xf32, #tpu.memory_space<vmem>> -> memref<32x512xf32, #tpu.memory_space<vmem>>
    tpu.enqueue_dma source(%dma_start3A_504 : memref<32x512xf32, #tpu.memory_space<vmem>>) target(%dma_start3A_500 : memref<32x512xf32, #tpu.memory_space<hbm>>) target_semaphore(%arg16 : memref<!tpu.dma_semaphore, #tpu.memory_space<semaphore_mem>>)
    %dma_wait3A_505 = arith.constant 1 : i32
    %dma_wait3A_506 = arith.constant 0 : i32
    %dma_wait3A_507 = arith.constant 0 : i32
    %dma_wait3A_508 = tpu.memref_slice %arg6[%dma_wait3A_505, %dma_wait3A_506, %dma_wait3A_507] : memref<7x32x512xf32, #tpu.memory_space<vmem>> -> memref<1x32x512xf32, #tpu.memory_space<vmem>>
    %dma_wait3A_509 = tpu.memref_squeeze %dma_wait3A_508 : memref<1x32x512xf32, #tpu.memory_space<vmem>> -> memref<32x512xf32, #tpu.memory_space<vmem>>
    %dma_wait3A_510 = arith.constant 0 : i32
    %dma_wait3A_511 = tpu.memref_slice %arg4[%add3A_443, %dma_wait3A_510] : memref<16384x512xf32, #tpu.memory_space<hbm>> -> memref<32x512xf32, #tpu.memory_space<hbm>>
    %dma_wait3A_512 = arith.constant 0 : i32
    %dma_wait3A_513 = tpu.memref_slice %arg4[%add3A_443, %dma_wait3A_512] : memref<16384x512xf32, #tpu.memory_space<hbm>> -> memref<32x512xf32, #tpu.memory_space<hbm>>
    %dma_wait3A_514 = arith.constant 0 : i32
    %dma_wait3A_515 = arith.constant 0 : i32
    %dma_wait3A_516 = tpu.memref_slice %arg6[%dma_wait3A_505, %dma_wait3A_514, %dma_wait3A_515] : memref<7x32x512xf32, #tpu.memory_space<vmem>> -> memref<1x32x512xf32, #tpu.memory_space<vmem>>
    %dma_wait3A_517 = tpu.memref_squeeze %dma_wait3A_516 : memref<1x32x512xf32, #tpu.memory_space<vmem>> -> memref<32x512xf32, #tpu.memory_space<vmem>>
    tpu.wait_dma2 semaphore(%arg15 : memref<!tpu.dma_semaphore, #tpu.memory_space<semaphore_mem>>) src(%dma_wait3A_517 : memref<32x512xf32, #tpu.memory_space<vmem>>) dst(%dma_wait3A_513 : memref<32x512xf32, #tpu.memory_space<hbm>>)
    %dma_start3A_518 = arith.constant 1 : i32
    %dma_start3A_519 = arith.constant 0 : i32
    %dma_start3A_520 = arith.constant 0 : i32
    %dma_start3A_521 = tpu.memref_slice %arg6[%dma_start3A_518, %dma_start3A_519, %dma_start3A_520] : memref<7x32x512xf32, #tpu.memory_space<vmem>> -> memref<1x32x512xf32, #tpu.memory_space<vmem>>
    %dma_start3A_522 = tpu.memref_squeeze %dma_start3A_521 : memref<1x32x512xf32, #tpu.memory_space<vmem>> -> memref<32x512xf32, #tpu.memory_space<vmem>>
    %dma_start3A_523 = arith.constant 480 : i32
    %dma_start3A_524 = tpu.memref_slice %arg5[%dma_start3A_523] : memref<512xi32, #tpu.memory_space<vmem>> -> memref<32xi32, #tpu.memory_space<vmem>>
    %dma_start3A_525 = arith.constant 0 : i32
    %dma_start3A_526 = arith.constant 0 : i32
    %dma_start3A_527 = tpu.memref_slice %arg3[%dma_start3A_525, %dma_start3A_526] : memref<10000x512xf32, #tpu.memory_space<hbm>> -> memref<10000x512xf32, #tpu.memory_space<hbm>>
    tpu.enqueue_indirect_dma source(%dma_start3A_527 : memref<10000x512xf32, #tpu.memory_space<hbm>>) target(%dma_start3A_522 : memref<32x512xf32, #tpu.memory_space<vmem>>) offsets(%dma_start3A_524 : memref<32xi32, #tpu.memory_space<vmem>>) semaphore(%arg8 : memref<!tpu.dma_semaphore, #tpu.memory_space<semaphore_mem>>)
    %dma_wait3A_528 = arith.constant 3 : i32
    %dma_wait3A_529 = arith.constant 0 : i32
    %dma_wait3A_530 = arith.constant 0 : i32
    %dma_wait3A_531 = tpu.memref_slice %arg6[%dma_wait3A_528, %dma_wait3A_529, %dma_wait3A_530] : memref<7x32x512xf32, #tpu.memory_space<vmem>> -> memref<1x32x512xf32, #tpu.memory_space<vmem>>
    %dma_wait3A_532 = tpu.memref_squeeze %dma_wait3A_531 : memref<1x32x512xf32, #tpu.memory_space<vmem>> -> memref<32x512xf32, #tpu.memory_space<vmem>>
    %dma_wait3A_533 = arith.constant 320 : i32
    %dma_wait3A_534 = tpu.memref_slice %arg5[%dma_wait3A_533] : memref<512xi32, #tpu.memory_space<vmem>> -> memref<32xi32, #tpu.memory_space<vmem>>
    %dma_wait3A_535 = arith.constant 0 : i32
    %dma_wait3A_536 = arith.constant 0 : i32
    %dma_wait3A_537 = tpu.memref_slice %arg3[%dma_wait3A_535, %dma_wait3A_536] : memref<10000x512xf32, #tpu.memory_space<hbm>> -> memref<10000x512xf32, #tpu.memory_space<hbm>>
    tpu.wait_indirect_dma semaphore(%arg10 : memref<!tpu.dma_semaphore, #tpu.memory_space<semaphore_mem>>) src(%dma_wait3A_537 : memref<10000x512xf32, #tpu.memory_space<hbm>>) dst(%dma_wait3A_532 : memref<32x512xf32, #tpu.memory_space<vmem>>)
    %add3A_538 = arith.constant 320 : i32
    %add3A_539 = arith.addi %mul3A_2, %add3A_538 : i32
    %dma_start3A_540 = arith.constant 3 : i32
    %dma_start3A_541 = arith.constant 0 : i32
    %dma_start3A_542 = arith.constant 0 : i32
    %dma_start3A_543 = tpu.memref_slice %arg6[%dma_start3A_540, %dma_start3A_541, %dma_start3A_542] : memref<7x32x512xf32, #tpu.memory_space<vmem>> -> memref<1x32x512xf32, #tpu.memory_space<vmem>>
    %dma_start3A_544 = tpu.memref_squeeze %dma_start3A_543 : memref<1x32x512xf32, #tpu.memory_space<vmem>> -> memref<32x512xf32, #tpu.memory_space<vmem>>
    %dma_start3A_545 = arith.constant 0 : i32
    %dma_start3A_546 = tpu.memref_slice %arg4[%add3A_539, %dma_start3A_545] : memref<16384x512xf32, #tpu.memory_space<hbm>> -> memref<32x512xf32, #tpu.memory_space<hbm>>
    %dma_start3A_547 = arith.constant 0 : i32
    %dma_start3A_548 = tpu.memref_slice %arg4[%add3A_539, %dma_start3A_547] : memref<16384x512xf32, #tpu.memory_space<hbm>> -> memref<32x512xf32, #tpu.memory_space<hbm>>
    %dma_start3A_549 = arith.constant 0 : i32
    %dma_start3A_550 = arith.constant 0 : i32
    %dma_start3A_551 = tpu.memref_slice %arg6[%dma_start3A_540, %dma_start3A_549, %dma_start3A_550] : memref<7x32x512xf32, #tpu.memory_space<vmem>> -> memref<1x32x512xf32, #tpu.memory_space<vmem>>
    %dma_start3A_552 = tpu.memref_squeeze %dma_start3A_551 : memref<1x32x512xf32, #tpu.memory_space<vmem>> -> memref<32x512xf32, #tpu.memory_space<vmem>>
    tpu.enqueue_dma source(%dma_start3A_552 : memref<32x512xf32, #tpu.memory_space<vmem>>) target(%dma_start3A_548 : memref<32x512xf32, #tpu.memory_space<hbm>>) target_semaphore(%arg17 : memref<!tpu.dma_semaphore, #tpu.memory_space<semaphore_mem>>)
    %dma_wait3A_553 = arith.constant 4 : i32
    %dma_wait3A_554 = arith.constant 0 : i32
    %dma_wait3A_555 = arith.constant 0 : i32
    %dma_wait3A_556 = tpu.memref_slice %arg6[%dma_wait3A_553, %dma_wait3A_554, %dma_wait3A_555] : memref<7x32x512xf32, #tpu.memory_space<vmem>> -> memref<1x32x512xf32, #tpu.memory_space<vmem>>
    %dma_wait3A_557 = tpu.memref_squeeze %dma_wait3A_556 : memref<1x32x512xf32, #tpu.memory_space<vmem>> -> memref<32x512xf32, #tpu.memory_space<vmem>>
    %dma_wait3A_558 = arith.constant 352 : i32
    %dma_wait3A_559 = tpu.memref_slice %arg5[%dma_wait3A_558] : memref<512xi32, #tpu.memory_space<vmem>> -> memref<32xi32, #tpu.memory_space<vmem>>
    %dma_wait3A_560 = arith.constant 0 : i32
    %dma_wait3A_561 = arith.constant 0 : i32
    %dma_wait3A_562 = tpu.memref_slice %arg3[%dma_wait3A_560, %dma_wait3A_561] : memref<10000x512xf32, #tpu.memory_space<hbm>> -> memref<10000x512xf32, #tpu.memory_space<hbm>>
    tpu.wait_indirect_dma semaphore(%arg11 : memref<!tpu.dma_semaphore, #tpu.memory_space<semaphore_mem>>) src(%dma_wait3A_562 : memref<10000x512xf32, #tpu.memory_space<hbm>>) dst(%dma_wait3A_557 : memref<32x512xf32, #tpu.memory_space<vmem>>)
    %add3A_563 = arith.constant 352 : i32
    %add3A_564 = arith.addi %mul3A_2, %add3A_563 : i32
    %dma_start3A_565 = arith.constant 4 : i32
    %dma_start3A_566 = arith.constant 0 : i32
    %dma_start3A_567 = arith.constant 0 : i32
    %dma_start3A_568 = tpu.memref_slice %arg6[%dma_start3A_565, %dma_start3A_566, %dma_start3A_567] : memref<7x32x512xf32, #tpu.memory_space<vmem>> -> memref<1x32x512xf32, #tpu.memory_space<vmem>>
    %dma_start3A_569 = tpu.memref_squeeze %dma_start3A_568 : memref<1x32x512xf32, #tpu.memory_space<vmem>> -> memref<32x512xf32, #tpu.memory_space<vmem>>
    %dma_start3A_570 = arith.constant 0 : i32
    %dma_start3A_571 = tpu.memref_slice %arg4[%add3A_564, %dma_start3A_570] : memref<16384x512xf32, #tpu.memory_space<hbm>> -> memref<32x512xf32, #tpu.memory_space<hbm>>
    %dma_start3A_572 = arith.constant 0 : i32
    %dma_start3A_573 = tpu.memref_slice %arg4[%add3A_564, %dma_start3A_572] : memref<16384x512xf32, #tpu.memory_space<hbm>> -> memref<32x512xf32, #tpu.memory_space<hbm>>
    %dma_start3A_574 = arith.constant 0 : i32
    %dma_start3A_575 = arith.constant 0 : i32
    %dma_start3A_576 = tpu.memref_slice %arg6[%dma_start3A_565, %dma_start3A_574, %dma_start3A_575] : memref<7x32x512xf32, #tpu.memory_space<vmem>> -> memref<1x32x512xf32, #tpu.memory_space<vmem>>
    %dma_start3A_577 = tpu.memref_squeeze %dma_start3A_576 : memref<1x32x512xf32, #tpu.memory_space<vmem>> -> memref<32x512xf32, #tpu.memory_space<vmem>>
    tpu.enqueue_dma source(%dma_start3A_577 : memref<32x512xf32, #tpu.memory_space<vmem>>) target(%dma_start3A_573 : memref<32x512xf32, #tpu.memory_space<hbm>>) target_semaphore(%arg18 : memref<!tpu.dma_semaphore, #tpu.memory_space<semaphore_mem>>)
    %dma_wait3A_578 = arith.constant 5 : i32
    %dma_wait3A_579 = arith.constant 0 : i32
    %dma_wait3A_580 = arith.constant 0 : i32
    %dma_wait3A_581 = tpu.memref_slice %arg6[%dma_wait3A_578, %dma_wait3A_579, %dma_wait3A_580] : memref<7x32x512xf32, #tpu.memory_space<vmem>> -> memref<1x32x512xf32, #tpu.memory_space<vmem>>
    %dma_wait3A_582 = tpu.memref_squeeze %dma_wait3A_581 : memref<1x32x512xf32, #tpu.memory_space<vmem>> -> memref<32x512xf32, #tpu.memory_space<vmem>>
    %dma_wait3A_583 = arith.constant 384 : i32
    %dma_wait3A_584 = tpu.memref_slice %arg5[%dma_wait3A_583] : memref<512xi32, #tpu.memory_space<vmem>> -> memref<32xi32, #tpu.memory_space<vmem>>
    %dma_wait3A_585 = arith.constant 0 : i32
    %dma_wait3A_586 = arith.constant 0 : i32
    %dma_wait3A_587 = tpu.memref_slice %arg3[%dma_wait3A_585, %dma_wait3A_586] : memref<10000x512xf32, #tpu.memory_space<hbm>> -> memref<10000x512xf32, #tpu.memory_space<hbm>>
    tpu.wait_indirect_dma semaphore(%arg12 : memref<!tpu.dma_semaphore, #tpu.memory_space<semaphore_mem>>) src(%dma_wait3A_587 : memref<10000x512xf32, #tpu.memory_space<hbm>>) dst(%dma_wait3A_582 : memref<32x512xf32, #tpu.memory_space<vmem>>)
    %add3A_588 = arith.constant 384 : i32
    %add3A_589 = arith.addi %mul3A_2, %add3A_588 : i32
    %dma_start3A_590 = arith.constant 5 : i32
    %dma_start3A_591 = arith.constant 0 : i32
    %dma_start3A_592 = arith.constant 0 : i32
    %dma_start3A_593 = tpu.memref_slice %arg6[%dma_start3A_590, %dma_start3A_591, %dma_start3A_592] : memref<7x32x512xf32, #tpu.memory_space<vmem>> -> memref<1x32x512xf32, #tpu.memory_space<vmem>>
    %dma_start3A_594 = tpu.memref_squeeze %dma_start3A_593 : memref<1x32x512xf32, #tpu.memory_space<vmem>> -> memref<32x512xf32, #tpu.memory_space<vmem>>
    %dma_start3A_595 = arith.constant 0 : i32
    %dma_start3A_596 = tpu.memref_slice %arg4[%add3A_589, %dma_start3A_595] : memref<16384x512xf32, #tpu.memory_space<hbm>> -> memref<32x512xf32, #tpu.memory_space<hbm>>
    %dma_start3A_597 = arith.constant 0 : i32
    %dma_start3A_598 = tpu.memref_slice %arg4[%add3A_589, %dma_start3A_597] : memref<16384x512xf32, #tpu.memory_space<hbm>> -> memref<32x512xf32, #tpu.memory_space<hbm>>
    %dma_start3A_599 = arith.constant 0 : i32
    %dma_start3A_600 = arith.constant 0 : i32
    %dma_start3A_601 = tpu.memref_slice %arg6[%dma_start3A_590, %dma_start3A_599, %dma_start3A_600] : memref<7x32x512xf32, #tpu.memory_space<vmem>> -> memref<1x32x512xf32, #tpu.memory_space<vmem>>
    %dma_start3A_602 = tpu.memref_squeeze %dma_start3A_601 : memref<1x32x512xf32, #tpu.memory_space<vmem>> -> memref<32x512xf32, #tpu.memory_space<vmem>>
    tpu.enqueue_dma source(%dma_start3A_602 : memref<32x512xf32, #tpu.memory_space<vmem>>) target(%dma_start3A_598 : memref<32x512xf32, #tpu.memory_space<hbm>>) target_semaphore(%arg19 : memref<!tpu.dma_semaphore, #tpu.memory_space<semaphore_mem>>)
    %dma_wait3A_603 = arith.constant 6 : i32
    %dma_wait3A_604 = arith.constant 0 : i32
    %dma_wait3A_605 = arith.constant 0 : i32
    %dma_wait3A_606 = tpu.memref_slice %arg6[%dma_wait3A_603, %dma_wait3A_604, %dma_wait3A_605] : memref<7x32x512xf32, #tpu.memory_space<vmem>> -> memref<1x32x512xf32, #tpu.memory_space<vmem>>
    %dma_wait3A_607 = tpu.memref_squeeze %dma_wait3A_606 : memref<1x32x512xf32, #tpu.memory_space<vmem>> -> memref<32x512xf32, #tpu.memory_space<vmem>>
    %dma_wait3A_608 = arith.constant 416 : i32
    %dma_wait3A_609 = tpu.memref_slice %arg5[%dma_wait3A_608] : memref<512xi32, #tpu.memory_space<vmem>> -> memref<32xi32, #tpu.memory_space<vmem>>
    %dma_wait3A_610 = arith.constant 0 : i32
    %dma_wait3A_611 = arith.constant 0 : i32
    %dma_wait3A_612 = tpu.memref_slice %arg3[%dma_wait3A_610, %dma_wait3A_611] : memref<10000x512xf32, #tpu.memory_space<hbm>> -> memref<10000x512xf32, #tpu.memory_space<hbm>>
    tpu.wait_indirect_dma semaphore(%arg13 : memref<!tpu.dma_semaphore, #tpu.memory_space<semaphore_mem>>) src(%dma_wait3A_612 : memref<10000x512xf32, #tpu.memory_space<hbm>>) dst(%dma_wait3A_607 : memref<32x512xf32, #tpu.memory_space<vmem>>)
    %add3A_613 = arith.constant 416 : i32
    %add3A_614 = arith.addi %mul3A_2, %add3A_613 : i32
    %dma_start3A_615 = arith.constant 6 : i32
    %dma_start3A_616 = arith.constant 0 : i32
    %dma_start3A_617 = arith.constant 0 : i32
    %dma_start3A_618 = tpu.memref_slice %arg6[%dma_start3A_615, %dma_start3A_616, %dma_start3A_617] : memref<7x32x512xf32, #tpu.memory_space<vmem>> -> memref<1x32x512xf32, #tpu.memory_space<vmem>>
    %dma_start3A_619 = tpu.memref_squeeze %dma_start3A_618 : memref<1x32x512xf32, #tpu.memory_space<vmem>> -> memref<32x512xf32, #tpu.memory_space<vmem>>
    %dma_start3A_620 = arith.constant 0 : i32
    %dma_start3A_621 = tpu.memref_slice %arg4[%add3A_614, %dma_start3A_620] : memref<16384x512xf32, #tpu.memory_space<hbm>> -> memref<32x512xf32, #tpu.memory_space<hbm>>
    %dma_start3A_622 = arith.constant 0 : i32
    %dma_start3A_623 = tpu.memref_slice %arg4[%add3A_614, %dma_start3A_622] : memref<16384x512xf32, #tpu.memory_space<hbm>> -> memref<32x512xf32, #tpu.memory_space<hbm>>
    %dma_start3A_624 = arith.constant 0 : i32
    %dma_start3A_625 = arith.constant 0 : i32
    %dma_start3A_626 = tpu.memref_slice %arg6[%dma_start3A_615, %dma_start3A_624, %dma_start3A_625] : memref<7x32x512xf32, #tpu.memory_space<vmem>> -> memref<1x32x512xf32, #tpu.memory_space<vmem>>
    %dma_start3A_627 = tpu.memref_squeeze %dma_start3A_626 : memref<1x32x512xf32, #tpu.memory_space<vmem>> -> memref<32x512xf32, #tpu.memory_space<vmem>>
    tpu.enqueue_dma source(%dma_start3A_627 : memref<32x512xf32, #tpu.memory_space<vmem>>) target(%dma_start3A_623 : memref<32x512xf32, #tpu.memory_space<hbm>>) target_semaphore(%arg20 : memref<!tpu.dma_semaphore, #tpu.memory_space<semaphore_mem>>)
    %dma_wait3A_628 = arith.constant 0 : i32
    %dma_wait3A_629 = arith.constant 0 : i32
    %dma_wait3A_630 = arith.constant 0 : i32
    %dma_wait3A_631 = tpu.memref_slice %arg6[%dma_wait3A_628, %dma_wait3A_629, %dma_wait3A_630] : memref<7x32x512xf32, #tpu.memory_space<vmem>> -> memref<1x32x512xf32, #tpu.memory_space<vmem>>
    %dma_wait3A_632 = tpu.memref_squeeze %dma_wait3A_631 : memref<1x32x512xf32, #tpu.memory_space<vmem>> -> memref<32x512xf32, #tpu.memory_space<vmem>>
    %dma_wait3A_633 = arith.constant 448 : i32
    %dma_wait3A_634 = tpu.memref_slice %arg5[%dma_wait3A_633] : memref<512xi32, #tpu.memory_space<vmem>> -> memref<32xi32, #tpu.memory_space<vmem>>
    %dma_wait3A_635 = arith.constant 0 : i32
    %dma_wait3A_636 = arith.constant 0 : i32
    %dma_wait3A_637 = tpu.memref_slice %arg3[%dma_wait3A_635, %dma_wait3A_636] : memref<10000x512xf32, #tpu.memory_space<hbm>> -> memref<10000x512xf32, #tpu.memory_space<hbm>>
    tpu.wait_indirect_dma semaphore(%arg7 : memref<!tpu.dma_semaphore, #tpu.memory_space<semaphore_mem>>) src(%dma_wait3A_637 : memref<10000x512xf32, #tpu.memory_space<hbm>>) dst(%dma_wait3A_632 : memref<32x512xf32, #tpu.memory_space<vmem>>)
    %add3A_638 = arith.constant 448 : i32
    %add3A_639 = arith.addi %mul3A_2, %add3A_638 : i32
    %dma_start3A_640 = arith.constant 0 : i32
    %dma_start3A_641 = arith.constant 0 : i32
    %dma_start3A_642 = arith.constant 0 : i32
    %dma_start3A_643 = tpu.memref_slice %arg6[%dma_start3A_640, %dma_start3A_641, %dma_start3A_642] : memref<7x32x512xf32, #tpu.memory_space<vmem>> -> memref<1x32x512xf32, #tpu.memory_space<vmem>>
    %dma_start3A_644 = tpu.memref_squeeze %dma_start3A_643 : memref<1x32x512xf32, #tpu.memory_space<vmem>> -> memref<32x512xf32, #tpu.memory_space<vmem>>
    %dma_start3A_645 = arith.constant 0 : i32
    %dma_start3A_646 = tpu.memref_slice %arg4[%add3A_639, %dma_start3A_645] : memref<16384x512xf32, #tpu.memory_space<hbm>> -> memref<32x512xf32, #tpu.memory_space<hbm>>
    %dma_start3A_647 = arith.constant 0 : i32
    %dma_start3A_648 = tpu.memref_slice %arg4[%add3A_639, %dma_start3A_647] : memref<16384x512xf32, #tpu.memory_space<hbm>> -> memref<32x512xf32, #tpu.memory_space<hbm>>
    %dma_start3A_649 = arith.constant 0 : i32
    %dma_start3A_650 = arith.constant 0 : i32
    %dma_start3A_651 = tpu.memref_slice %arg6[%dma_start3A_640, %dma_start3A_649, %dma_start3A_650] : memref<7x32x512xf32, #tpu.memory_space<vmem>> -> memref<1x32x512xf32, #tpu.memory_space<vmem>>
    %dma_start3A_652 = tpu.memref_squeeze %dma_start3A_651 : memref<1x32x512xf32, #tpu.memory_space<vmem>> -> memref<32x512xf32, #tpu.memory_space<vmem>>
    tpu.enqueue_dma source(%dma_start3A_652 : memref<32x512xf32, #tpu.memory_space<vmem>>) target(%dma_start3A_648 : memref<32x512xf32, #tpu.memory_space<hbm>>) target_semaphore(%arg14 : memref<!tpu.dma_semaphore, #tpu.memory_space<semaphore_mem>>)
    %dma_wait3A_653 = arith.constant 1 : i32
    %dma_wait3A_654 = arith.constant 0 : i32
    %dma_wait3A_655 = arith.constant 0 : i32
    %dma_wait3A_656 = tpu.memref_slice %arg6[%dma_wait3A_653, %dma_wait3A_654, %dma_wait3A_655] : memref<7x32x512xf32, #tpu.memory_space<vmem>> -> memref<1x32x512xf32, #tpu.memory_space<vmem>>
    %dma_wait3A_657 = tpu.memref_squeeze %dma_wait3A_656 : memref<1x32x512xf32, #tpu.memory_space<vmem>> -> memref<32x512xf32, #tpu.memory_space<vmem>>
    %dma_wait3A_658 = arith.constant 480 : i32
    %dma_wait3A_659 = tpu.memref_slice %arg5[%dma_wait3A_658] : memref<512xi32, #tpu.memory_space<vmem>> -> memref<32xi32, #tpu.memory_space<vmem>>
    %dma_wait3A_660 = arith.constant 0 : i32
    %dma_wait3A_661 = arith.constant 0 : i32
    %dma_wait3A_662 = tpu.memref_slice %arg3[%dma_wait3A_660, %dma_wait3A_661] : memref<10000x512xf32, #tpu.memory_space<hbm>> -> memref<10000x512xf32, #tpu.memory_space<hbm>>
    tpu.wait_indirect_dma semaphore(%arg8 : memref<!tpu.dma_semaphore, #tpu.memory_space<semaphore_mem>>) src(%dma_wait3A_662 : memref<10000x512xf32, #tpu.memory_space<hbm>>) dst(%dma_wait3A_657 : memref<32x512xf32, #tpu.memory_space<vmem>>)
    %add3A_663 = arith.constant 480 : i32
    %add3A_664 = arith.addi %mul3A_2, %add3A_663 : i32
    %dma_start3A_665 = arith.constant 1 : i32
    %dma_start3A_666 = arith.constant 0 : i32
    %dma_start3A_667 = arith.constant 0 : i32
    %dma_start3A_668 = tpu.memref_slice %arg6[%dma_start3A_665, %dma_start3A_666, %dma_start3A_667] : memref<7x32x512xf32, #tpu.memory_space<vmem>> -> memref<1x32x512xf32, #tpu.memory_space<vmem>>
    %dma_start3A_669 = tpu.memref_squeeze %dma_start3A_668 : memref<1x32x512xf32, #tpu.memory_space<vmem>> -> memref<32x512xf32, #tpu.memory_space<vmem>>
    %dma_start3A_670 = arith.constant 0 : i32
    %dma_start3A_671 = tpu.memref_slice %arg4[%add3A_664, %dma_start3A_670] : memref<16384x512xf32, #tpu.memory_space<hbm>> -> memref<32x512xf32, #tpu.memory_space<hbm>>
    %dma_start3A_672 = arith.constant 0 : i32
    %dma_start3A_673 = tpu.memref_slice %arg4[%add3A_664, %dma_start3A_672] : memref<16384x512xf32, #tpu.memory_space<hbm>> -> memref<32x512xf32, #tpu.memory_space<hbm>>
    %dma_start3A_674 = arith.constant 0 : i32
    %dma_start3A_675 = arith.constant 0 : i32
    %dma_start3A_676 = tpu.memref_slice %arg6[%dma_start3A_665, %dma_start3A_674, %dma_start3A_675] : memref<7x32x512xf32, #tpu.memory_space<vmem>> -> memref<1x32x512xf32, #tpu.memory_space<vmem>>
    %dma_start3A_677 = tpu.memref_squeeze %dma_start3A_676 : memref<1x32x512xf32, #tpu.memory_space<vmem>> -> memref<32x512xf32, #tpu.memory_space<vmem>>
    tpu.enqueue_dma source(%dma_start3A_677 : memref<32x512xf32, #tpu.memory_space<vmem>>) target(%dma_start3A_673 : memref<32x512xf32, #tpu.memory_space<hbm>>) target_semaphore(%arg15 : memref<!tpu.dma_semaphore, #tpu.memory_space<semaphore_mem>>)
    %dma_wait3A_678 = arith.constant 2 : i32
    %dma_wait3A_679 = arith.constant 0 : i32
    %dma_wait3A_680 = arith.constant 0 : i32
    %dma_wait3A_681 = tpu.memref_slice %arg6[%dma_wait3A_678, %dma_wait3A_679, %dma_wait3A_680] : memref<7x32x512xf32, #tpu.memory_space<vmem>> -> memref<1x32x512xf32, #tpu.memory_space<vmem>>
    %dma_wait3A_682 = tpu.memref_squeeze %dma_wait3A_681 : memref<1x32x512xf32, #tpu.memory_space<vmem>> -> memref<32x512xf32, #tpu.memory_space<vmem>>
    %dma_wait3A_683 = arith.constant 0 : i32
    %dma_wait3A_684 = tpu.memref_slice %arg4[%add3A_491, %dma_wait3A_683] : memref<16384x512xf32, #tpu.memory_space<hbm>> -> memref<32x512xf32, #tpu.memory_space<hbm>>
    %dma_wait3A_685 = arith.constant 0 : i32
    %dma_wait3A_686 = tpu.memref_slice %arg4[%add3A_491, %dma_wait3A_685] : memref<16384x512xf32, #tpu.memory_space<hbm>> -> memref<32x512xf32, #tpu.memory_space<hbm>>
    %dma_wait3A_687 = arith.constant 0 : i32
    %dma_wait3A_688 = arith.constant 0 : i32
    %dma_wait3A_689 = tpu.memref_slice %arg6[%dma_wait3A_678, %dma_wait3A_687, %dma_wait3A_688] : memref<7x32x512xf32, #tpu.memory_space<vmem>> -> memref<1x32x512xf32, #tpu.memory_space<vmem>>
    %dma_wait3A_690 = tpu.memref_squeeze %dma_wait3A_689 : memref<1x32x512xf32, #tpu.memory_space<vmem>> -> memref<32x512xf32, #tpu.memory_space<vmem>>
    tpu.wait_dma2 semaphore(%arg16 : memref<!tpu.dma_semaphore, #tpu.memory_space<semaphore_mem>>) src(%dma_wait3A_690 : memref<32x512xf32, #tpu.memory_space<vmem>>) dst(%dma_wait3A_686 : memref<32x512xf32, #tpu.memory_space<hbm>>)
    %dma_wait3A_691 = arith.constant 3 : i32
    %dma_wait3A_692 = arith.constant 0 : i32
    %dma_wait3A_693 = arith.constant 0 : i32
    %dma_wait3A_694 = tpu.memref_slice %arg6[%dma_wait3A_691, %dma_wait3A_692, %dma_wait3A_693] : memref<7x32x512xf32, #tpu.memory_space<vmem>> -> memref<1x32x512xf32, #tpu.memory_space<vmem>>
    %dma_wait3A_695 = tpu.memref_squeeze %dma_wait3A_694 : memref<1x32x512xf32, #tpu.memory_space<vmem>> -> memref<32x512xf32, #tpu.memory_space<vmem>>
    %dma_wait3A_696 = arith.constant 0 : i32
    %dma_wait3A_697 = tpu.memref_slice %arg4[%add3A_539, %dma_wait3A_696] : memref<16384x512xf32, #tpu.memory_space<hbm>> -> memref<32x512xf32, #tpu.memory_space<hbm>>
    %dma_wait3A_698 = arith.constant 0 : i32
    %dma_wait3A_699 = tpu.memref_slice %arg4[%add3A_539, %dma_wait3A_698] : memref<16384x512xf32, #tpu.memory_space<hbm>> -> memref<32x512xf32, #tpu.memory_space<hbm>>
    %dma_wait3A_700 = arith.constant 0 : i32
    %dma_wait3A_701 = arith.constant 0 : i32
    %dma_wait3A_702 = tpu.memref_slice %arg6[%dma_wait3A_691, %dma_wait3A_700, %dma_wait3A_701] : memref<7x32x512xf32, #tpu.memory_space<vmem>> -> memref<1x32x512xf32, #tpu.memory_space<vmem>>
    %dma_wait3A_703 = tpu.memref_squeeze %dma_wait3A_702 : memref<1x32x512xf32, #tpu.memory_space<vmem>> -> memref<32x512xf32, #tpu.memory_space<vmem>>
    tpu.wait_dma2 semaphore(%arg17 : memref<!tpu.dma_semaphore, #tpu.memory_space<semaphore_mem>>) src(%dma_wait3A_703 : memref<32x512xf32, #tpu.memory_space<vmem>>) dst(%dma_wait3A_699 : memref<32x512xf32, #tpu.memory_space<hbm>>)
    %dma_wait3A_704 = arith.constant 4 : i32
    %dma_wait3A_705 = arith.constant 0 : i32
    %dma_wait3A_706 = arith.constant 0 : i32
    %dma_wait3A_707 = tpu.memref_slice %arg6[%dma_wait3A_704, %dma_wait3A_705, %dma_wait3A_706] : memref<7x32x512xf32, #tpu.memory_space<vmem>> -> memref<1x32x512xf32, #tpu.memory_space<vmem>>
    %dma_wait3A_708 = tpu.memref_squeeze %dma_wait3A_707 : memref<1x32x512xf32, #tpu.memory_space<vmem>> -> memref<32x512xf32, #tpu.memory_space<vmem>>
    %dma_wait3A_709 = arith.constant 0 : i32
    %dma_wait3A_710 = tpu.memref_slice %arg4[%add3A_564, %dma_wait3A_709] : memref<16384x512xf32, #tpu.memory_space<hbm>> -> memref<32x512xf32, #tpu.memory_space<hbm>>
    %dma_wait3A_711 = arith.constant 0 : i32
    %dma_wait3A_712 = tpu.memref_slice %arg4[%add3A_564, %dma_wait3A_711] : memref<16384x512xf32, #tpu.memory_space<hbm>> -> memref<32x512xf32, #tpu.memory_space<hbm>>
    %dma_wait3A_713 = arith.constant 0 : i32
    %dma_wait3A_714 = arith.constant 0 : i32
    %dma_wait3A_715 = tpu.memref_slice %arg6[%dma_wait3A_704, %dma_wait3A_713, %dma_wait3A_714] : memref<7x32x512xf32, #tpu.memory_space<vmem>> -> memref<1x32x512xf32, #tpu.memory_space<vmem>>
    %dma_wait3A_716 = tpu.memref_squeeze %dma_wait3A_715 : memref<1x32x512xf32, #tpu.memory_space<vmem>> -> memref<32x512xf32, #tpu.memory_space<vmem>>
    tpu.wait_dma2 semaphore(%arg18 : memref<!tpu.dma_semaphore, #tpu.memory_space<semaphore_mem>>) src(%dma_wait3A_716 : memref<32x512xf32, #tpu.memory_space<vmem>>) dst(%dma_wait3A_712 : memref<32x512xf32, #tpu.memory_space<hbm>>)
    %dma_wait3A_717 = arith.constant 5 : i32
    %dma_wait3A_718 = arith.constant 0 : i32
    %dma_wait3A_719 = arith.constant 0 : i32
    %dma_wait3A_720 = tpu.memref_slice %arg6[%dma_wait3A_717, %dma_wait3A_718, %dma_wait3A_719] : memref<7x32x512xf32, #tpu.memory_space<vmem>> -> memref<1x32x512xf32, #tpu.memory_space<vmem>>
    %dma_wait3A_721 = tpu.memref_squeeze %dma_wait3A_720 : memref<1x32x512xf32, #tpu.memory_space<vmem>> -> memref<32x512xf32, #tpu.memory_space<vmem>>
    %dma_wait3A_722 = arith.constant 0 : i32
    %dma_wait3A_723 = tpu.memref_slice %arg4[%add3A_589, %dma_wait3A_722] : memref<16384x512xf32, #tpu.memory_space<hbm>> -> memref<32x512xf32, #tpu.memory_space<hbm>>
    %dma_wait3A_724 = arith.constant 0 : i32
    %dma_wait3A_725 = tpu.memref_slice %arg4[%add3A_589, %dma_wait3A_724] : memref<16384x512xf32, #tpu.memory_space<hbm>> -> memref<32x512xf32, #tpu.memory_space<hbm>>
    %dma_wait3A_726 = arith.constant 0 : i32
    %dma_wait3A_727 = arith.constant 0 : i32
    %dma_wait3A_728 = tpu.memref_slice %arg6[%dma_wait3A_717, %dma_wait3A_726, %dma_wait3A_727] : memref<7x32x512xf32, #tpu.memory_space<vmem>> -> memref<1x32x512xf32, #tpu.memory_space<vmem>>
    %dma_wait3A_729 = tpu.memref_squeeze %dma_wait3A_728 : memref<1x32x512xf32, #tpu.memory_space<vmem>> -> memref<32x512xf32, #tpu.memory_space<vmem>>
    tpu.wait_dma2 semaphore(%arg19 : memref<!tpu.dma_semaphore, #tpu.memory_space<semaphore_mem>>) src(%dma_wait3A_729 : memref<32x512xf32, #tpu.memory_space<vmem>>) dst(%dma_wait3A_725 : memref<32x512xf32, #tpu.memory_space<hbm>>)
    %dma_wait3A_730 = arith.constant 6 : i32
    %dma_wait3A_731 = arith.constant 0 : i32
    %dma_wait3A_732 = arith.constant 0 : i32
    %dma_wait3A_733 = tpu.memref_slice %arg6[%dma_wait3A_730, %dma_wait3A_731, %dma_wait3A_732] : memref<7x32x512xf32, #tpu.memory_space<vmem>> -> memref<1x32x512xf32, #tpu.memory_space<vmem>>
    %dma_wait3A_734 = tpu.memref_squeeze %dma_wait3A_733 : memref<1x32x512xf32, #tpu.memory_space<vmem>> -> memref<32x512xf32, #tpu.memory_space<vmem>>
    %dma_wait3A_735 = arith.constant 0 : i32
    %dma_wait3A_736 = tpu.memref_slice %arg4[%add3A_614, %dma_wait3A_735] : memref<16384x512xf32, #tpu.memory_space<hbm>> -> memref<32x512xf32, #tpu.memory_space<hbm>>
    %dma_wait3A_737 = arith.constant 0 : i32
    %dma_wait3A_738 = tpu.memref_slice %arg4[%add3A_614, %dma_wait3A_737] : memref<16384x512xf32, #tpu.memory_space<hbm>> -> memref<32x512xf32, #tpu.memory_space<hbm>>
    %dma_wait3A_739 = arith.constant 0 : i32
    %dma_wait3A_740 = arith.constant 0 : i32
    %dma_wait3A_741 = tpu.memref_slice %arg6[%dma_wait3A_730, %dma_wait3A_739, %dma_wait3A_740] : memref<7x32x512xf32, #tpu.memory_space<vmem>> -> memref<1x32x512xf32, #tpu.memory_space<vmem>>
    %dma_wait3A_742 = tpu.memref_squeeze %dma_wait3A_741 : memref<1x32x512xf32, #tpu.memory_space<vmem>> -> memref<32x512xf32, #tpu.memory_space<vmem>>
    tpu.wait_dma2 semaphore(%arg20 : memref<!tpu.dma_semaphore, #tpu.memory_space<semaphore_mem>>) src(%dma_wait3A_742 : memref<32x512xf32, #tpu.memory_space<vmem>>) dst(%dma_wait3A_738 : memref<32x512xf32, #tpu.memory_space<hbm>>)
    %dma_wait3A_743 = arith.constant 0 : i32
    %dma_wait3A_744 = arith.constant 0 : i32
    %dma_wait3A_745 = arith.constant 0 : i32
    %dma_wait3A_746 = tpu.memref_slice %arg6[%dma_wait3A_743, %dma_wait3A_744, %dma_wait3A_745] : memref<7x32x512xf32, #tpu.memory_space<vmem>> -> memref<1x32x512xf32, #tpu.memory_space<vmem>>
    %dma_wait3A_747 = tpu.memref_squeeze %dma_wait3A_746 : memref<1x32x512xf32, #tpu.memory_space<vmem>> -> memref<32x512xf32, #tpu.memory_space<vmem>>
    %dma_wait3A_748 = arith.constant 0 : i32
    %dma_wait3A_749 = tpu.memref_slice %arg4[%add3A_639, %dma_wait3A_748] : memref<16384x512xf32, #tpu.memory_space<hbm>> -> memref<32x512xf32, #tpu.memory_space<hbm>>
    %dma_wait3A_750 = arith.constant 0 : i32
    %dma_wait3A_751 = tpu.memref_slice %arg4[%add3A_639, %dma_wait3A_750] : memref<16384x512xf32, #tpu.memory_space<hbm>> -> memref<32x512xf32, #tpu.memory_space<hbm>>
    %dma_wait3A_752 = arith.constant 0 : i32
    %dma_wait3A_753 = arith.constant 0 : i32
    %dma_wait3A_754 = tpu.memref_slice %arg6[%dma_wait3A_743, %dma_wait3A_752, %dma_wait3A_753] : memref<7x32x512xf32, #tpu.memory_space<vmem>> -> memref<1x32x512xf32, #tpu.memory_space<vmem>>
    %dma_wait3A_755 = tpu.memref_squeeze %dma_wait3A_754 : memref<1x32x512xf32, #tpu.memory_space<vmem>> -> memref<32x512xf32, #tpu.memory_space<vmem>>
    tpu.wait_dma2 semaphore(%arg14 : memref<!tpu.dma_semaphore, #tpu.memory_space<semaphore_mem>>) src(%dma_wait3A_755 : memref<32x512xf32, #tpu.memory_space<vmem>>) dst(%dma_wait3A_751 : memref<32x512xf32, #tpu.memory_space<hbm>>)
    %dma_wait3A_756 = arith.constant 1 : i32
    %dma_wait3A_757 = arith.constant 0 : i32
    %dma_wait3A_758 = arith.constant 0 : i32
    %dma_wait3A_759 = tpu.memref_slice %arg6[%dma_wait3A_756, %dma_wait3A_757, %dma_wait3A_758] : memref<7x32x512xf32, #tpu.memory_space<vmem>> -> memref<1x32x512xf32, #tpu.memory_space<vmem>>
    %dma_wait3A_760 = tpu.memref_squeeze %dma_wait3A_759 : memref<1x32x512xf32, #tpu.memory_space<vmem>> -> memref<32x512xf32, #tpu.memory_space<vmem>>
    %dma_wait3A_761 = arith.constant 0 : i32
    %dma_wait3A_762 = tpu.memref_slice %arg4[%add3A_664, %dma_wait3A_761] : memref<16384x512xf32, #tpu.memory_space<hbm>> -> memref<32x512xf32, #tpu.memory_space<hbm>>
    %dma_wait3A_763 = arith.constant 0 : i32
    %dma_wait3A_764 = tpu.memref_slice %arg4[%add3A_664, %dma_wait3A_763] : memref<16384x512xf32, #tpu.memory_space<hbm>> -> memref<32x512xf32, #tpu.memory_space<hbm>>
    %dma_wait3A_765 = arith.constant 0 : i32
    %dma_wait3A_766 = arith.constant 0 : i32
    %dma_wait3A_767 = tpu.memref_slice %arg6[%dma_wait3A_756, %dma_wait3A_765, %dma_wait3A_766] : memref<7x32x512xf32, #tpu.memory_space<vmem>> -> memref<1x32x512xf32, #tpu.memory_space<vmem>>
    %dma_wait3A_768 = tpu.memref_squeeze %dma_wait3A_767 : memref<1x32x512xf32, #tpu.memory_space<vmem>> -> memref<32x512xf32, #tpu.memory_space<vmem>>
    tpu.wait_dma2 semaphore(%arg15 : memref<!tpu.dma_semaphore, #tpu.memory_space<semaphore_mem>>) src(%dma_wait3A_768 : memref<32x512xf32, #tpu.memory_space<vmem>>) dst(%dma_wait3A_764 : memref<32x512xf32, #tpu.memory_space<hbm>>)
    return
  }
}

</mosaic_0001>

<sc_bundles>
// kernel: kernel.3.cloned.1.call-start
scs
__scs_entry_jumppad:
0x0: {  	(pc) =	sbr.rel $0x88, $3  }
0x1: {  	(tag) =	ssettag $0x0;
	lr =	simm.s32 $0x1  }
0x2: {  	[smem:$0x3F9F] =	sst lr;
	_ =	strace $0xD0000000  }
0x3: {  	_ = 	snop  }
0x4: {  	_ = 	snop  }
0x5: {  	_ = 	snop  }
0x6: {  	_ = 	snop  }
0x7: {  	_ = 	snop  }
__scs_overlays_trampoline_lowered:
0x8: {  	[smem:$0x3FAE] =	sst s0  }
0x9: {  	[smem:$0x3FAF] =	sst s1  }
0xa: {  	[smem:$0x3FB0] =	sst s2  }
0xb: {  	[smem:$0x3FB1] =	sst s3  }
0xc: {  	[smem:$0x3FB2] =	sst s4  }
0xd: {  	[smem:$0x3FB3] =	sst s5  }
0xe: {  	[smem:$0x3FB4] =	sst s6  }
0xf: {  	[smem:$0x3FB5] =	sst s7  }
0x10: {  	[smem:$0x3FB6] =	sst s8  }
0x11: {  	[smem:$0x3FB7] =	sst s9;
	s0 =	simm.s32 @!p0 $0x0  }
0x12: {  	s1 =	sld [smem:$0x3F9D];
	s0 =	simm.s32 @p0 $0x1  }
0x13: {  	[smem:$0x3FB8] =	sst s0;
	s0 =	simm.s32 @!p1 $0x0  }
0x14: {  	s2 =	sld [smem:$0x3F9C];
	s0 =	simm.s32 @p1 $0x1  }
0x15: {  	[smem:$0x3FB9] =	sst s0;
	s0 =	simm.s32 @!p2 $0x0  }
0x16: {  	s3 =	sld [smem:$0x3FDB];
	s0 =	simm.s32 @p2 $0x1  }
0x17: {  	s4 =	simm.s32 $0x1BF5;
	[smem:$0x3FBB] =	sst s0  }
0x18: {  	s0 =	sld [smem:$0x3F9E];
	_ =	swait.ge [sflag:s4], $0x0  }
0x19: {  	s7 =	sld [smem:$0x3F9F]  }
0x1a: {  	s8 =	sadd.s32 $0xFFFFE003, lr  }
0x1b: {  	s9 =	sadd.s32 $0xFFFFFEF7, lr;
	s5 =	simm.s32 $0xFFFFFFFF;
	p2 =	slt.u32 s8, $0xFFFFF086  }
0x1c: {  	p1 =	slt.u32 s9, $0xF7A;
	s5 =	simm.s32 @!p2 $0x0  }
0x1d: {  	s5 =	simm.s32 @p1 $0x1;
	p0 =	seq.s32 s7, s2  }
0x1e: {  	s7 =	smul.u32 @!p0 $0xF7A, s2;
	p2 =	seq.s32 @!p0 s5, $0x0  }
0x1f: {  	s9 =	smul.u32 $0xF7A, s1;
	s8 =	simm.s32 @!p0 $0x1BF5;
	p2 =	por !p2, p0  }
0x20: {  	[sflag:s8] =	ssyncset.s32 @!p0 $0xFFFFF086;
	s6 =	sadd.s32 @!p0 s3, s7;
	s7 =	simm.s32 @!p0 $0x108  }
0x21: {  	s3 =	sadd.s32 s3, s9;
	s6 =	sadd.s32 @!p0 $0x88, s6;
	s7 =	simm.s32 @p2 $0x1082  }
0x22: {  	[simem:s7], [sflag:s8] =	dma.local @!p0 [hbm:s6], $0xF7A  }
0x23: {  	s9 =	sor.u32 $0xD0000000, s2;
	s6 =	simm.s32 $0x108;
	_ =	swait.ge @!p0 [sflag:s8], $0x0  }
0x24: {  	s3 =	sadd.s32 $0x88, s3;
	s6 =	simm.s32 @!p1 $0x1082;
	[sflag:s4] =	ssyncset.s32 $0xFFFFF086  }
0x25: {  	[simem:s6], [sflag:s4] =	dma.local [hbm:s3], $0xF7A  }
0x26: {  	[smem:$0x3F9F] =	sst s1;
	(tag) =	ssettag s2;
	_ =	strace s9  }
0x27: {  	s1 =	sld [smem:$0x3FAF]  }
0x28: {  	s2 =	sld [smem:$0x3FB0]  }
0x29: {  	s4 =	sld [smem:$0x3FB2]  }
0x2a: {  	p0 =	seq.s32 s5, $0x0;
	s5 =	sld [smem:$0x3FB3]  }
0x2b: {  	s6 =	sld [smem:$0x3FB4]  }
0x2c: {  	s7 =	sld [smem:$0x3FB5]  }
0x2d: {  	s3 =	simm.s32 $0x108;
	s8 =	sld [smem:$0x3FB6]  }
0x2e: {  	s3 =	simm.s32 @!p0 $0x1082;
	s9 =	sld [smem:$0x3FB7]  }
0x2f: {  	lr =	sadd.s32 s0, s3;
	s0 =	sld [smem:$0x3FAE]  }
0x30: {  	s3 =	sld [smem:$0x3FB1]  }
0x31: {  	[smem:$0x3FBA] =	sst s10  }
0x32: {  	s10 =	sld [smem:$0x3FB8];
	_ =	sdelay $0x3  }
0x33: {  	p0 =	seq.s32 s10, $0x1;
	s10 =	sld [smem:$0x3FBA];
	_ =	sdelay $0x3  }
0x34: {  	[smem:$0x3FBA] =	sst s10  }
0x35: {  	s10 =	sld [smem:$0x3FB9];
	_ =	sdelay $0x3  }
0x36: {  	p1 =	seq.s32 s10, $0x1;
	s10 =	sld [smem:$0x3FBA];
	_ =	sdelay $0x3  }
0x37: {  	[smem:$0x3FBA] =	sst s10  }
0x38: {  	s10 =	sld [smem:$0x3FBB]  }
0x39: {  	_ = 	snop;
	(pc) =	sbr.ind lr, $3  }
0x3a: {  	_ = 	snop  }
0x3b: {  	_ = 	snop  }
0x3c: {  	p2 =	seq.s32 s10, $0x1;
	s10 =	sld [smem:$0x3FBA]  }
0x3d: {  	_ =	shalt  }
0x3e: {  	_ =	shalt  }
0x3f: {  	_ =	shalt  }
0x40: {  	_ =	shalt  }
0x41: {  	_ =	shalt  }
0x42: {  	_ =	shalt  }
0x43: {  	_ =	shalt  }
0x44: {  	_ =	shalt  }
0x45: {  	_ =	shalt  }
0x46: {  	_ =	shalt  }
0x47: {  	_ =	shalt  }
0x48: {  	_ =	shalt  }
0x49: {  	_ =	shalt  }
0x4a: {  	_ =	shalt  }
0x4b: {  	_ =	shalt  }
0x4c: {  	_ =	shalt  }
0x4d: {  	_ =	shalt  }
0x4e: {  	_ =	shalt  }
0x4f: {  	_ =	shalt  }
0x50: {  	_ =	shalt  }
0x51: {  	_ =	shalt  }
0x52: {  	_ =	shalt  }
0x53: {  	_ =	shalt  }
0x54: {  	_ =	shalt  }
0x55: {  	_ =	shalt  }
0x56: {  	_ =	shalt  }
0x57: {  	_ =	shalt  }
0x58: {  	_ =	shalt  }
0x59: {  	_ =	shalt  }
0x5a: {  	_ =	shalt  }
0x5b: {  	_ =	shalt  }
0x5c: {  	_ =	shalt  }
0x5d: {  	_ =	shalt  }
0x5e: {  	_ =	shalt  }
0x5f: {  	_ =	shalt  }
0x60: {  	_ =	shalt  }
0x61: {  	_ =	shalt  }
0x62: {  	_ =	shalt  }
0x63: {  	_ =	shalt  }
0x64: {  	_ =	shalt  }
0x65: {  	_ =	shalt  }
0x66: {  	_ =	shalt  }
0x67: {  	_ =	shalt  }
0x68: {  	_ =	shalt  }
0x69: {  	_ =	shalt  }
0x6a: {  	_ =	shalt  }
0x6b: {  	_ =	shalt  }
0x6c: {  	_ =	shalt  }
0x6d: {  	_ =	shalt  }
0x6e: {  	_ =	shalt  }
0x6f: {  	_ =	shalt  }
0x70: {  	_ =	shalt  }
0x71: {  	_ =	shalt  }
0x72: {  	_ =	shalt  }
0x73: {  	_ =	shalt  }
0x74: {  	_ =	shalt  }
0x75: {  	_ =	shalt  }
0x76: {  	_ =	shalt  }
0x77: {  	_ =	shalt  }
0x78: {  	_ =	shalt  }
0x79: {  	_ =	shalt  }
0x7a: {  	_ =	shalt  }
0x7b: {  	_ =	shalt  }
0x7c: {  	_ =	shalt  }
0x7d: {  	_ =	shalt  }
0x7e: {  	_ =	shalt  }
0x7f: {  	_ =	shalt  }
0x80: {  	_ =	shalt  }
0x81: {  	_ =	shalt  }
0x82: {  	_ =	shalt  }
0x83: {  	_ =	shalt  }
0x84: {  	_ =	shalt  }
0x85: {  	_ =	shalt  }
0x86: {  	_ =	shalt  }
0x87: {  	_ =	shalt  }
.Lfunc_end0:
.L_simem_size_0:
called_computation_lowered:
.L_overlay_start_0:
0x88: {  	s2 =	sld [smem:$0x3FD9]  }
0x89: {  	s3 =	sld [smem:$0x3FFE];
	_ =	sdelay $0x1  }
0x8a: {  	s1 =	srdreg.scid  }
0x8b: {  	s0 =	sand.u32 $0x1, s1  }
0x8c: {  	s18 =	sshll.u32 s0, $0xA;
	s2 =	sadd.s32 s3, s2  }
0x8d: {  	s2 =	sadd.s32 s2, s18  }
0x8e: {  	[smem:$0x3FC6] =	sst s2  }
0x8f: {  	_ = 	snop  }
0x90: {  	s2 =	sld [smem:$0x3FC9]  }
0x91: {  	s19 =	sld [smem:$0x3FC8]  }
0x92: {  	s4 =	sld [smem:$0x3FD0];
	(tm) =	ssettm $0x1  }
0x93: {  	s5 =	sld [smem:$0x3FFB];
	_ =	sdelay $0x3  }
0x94: {  	_ =	strace s5  }
0x95: {  	s5 =	sld [smem:$0x3FFC];
	_ =	sdelay $0x3  }
0x96: {  	_ =	strace s5  }
0x97: {  	s5 =	sld [smem:$0x3FFD];
	_ =	sdelay $0x3  }
0x98: {  	_ =	strace s5  }
0x99: {  	_ =	strace $0x8FFFFFFF  }
0x9a: {  	s20 =	sld [smem:$0x3FDB];
	_ =	sdelay $0x1  }
0x9b: {  	s6 =	simm.s32 $_scs_section_size  }
0x9c: {  	s7 =	simm.s32 $_size__tile_overlayer_lowered;
	s8 =	simm.s32 $_tile_overlayer_lowered  }
0x9d: {  	s23 =	simm.s32 $0x1BFF;
	s22 =	sshll.u32 s8, $0x1;
	s5 =	sadd.s32 s6, s20  }
0x9e: {  	s9 =	simm.s32 $0x0;
	s21 =	sshll.u32 s7, $0x1;
	s7 =	sadd.s32 s22, s5  }
0x9f: {  	[timem:s9], [sflag:s23] =	dma.local [hbm:s7], s21  }
0xa0: {  	_ =	swait.ge [sflag:s23], s21  }
0xa1: {  	s6 =	ssub.s32 $0x0, s21;
	[sflag:s23] =	ssyncset.done $0x0  }
0xa2: {  	[sflag:s23] =	ssyncadd.s32 s6;
	_ =	sdelay $0x1  }
0xa3: {  	s24 =	simm.s32 $0x1B8B  }
0xa4: {  	_ =	swait.ge [sflag:s24], $0x1  }
0xa5: {  	[sflag:s24] =	ssyncset.done $0x0  }
0xa6: {  	s25 =	simm.s32 $0x1B8E;
	[sflag:s24] =	ssyncadd.s32 $0xFFFFFFFF  }
0xa7: {  	s26 =	simm.s32 $execute0_lowered;
	[smem:$0x3FD2] =	sst s25  }
0xa8: {  	s6 =	sshll.u32 s26, $0x1;
	_ =	strace $0x80000046;
	[dreg:$0x1] =	wrdreg $0xFFFFFFFF  }
0xa9: {  	s28 =	simm.s32 $_size_execute0_lowered;
	s5 =	sadd.s32 s5, s6;
	[dreg:$0x0] =	wrdreg $0x0  }
0xaa: {  	s6 =	sshll.u32 s28, $0x1;
	[dreg:$0x2] =	wrdreg s5  }
0xab: {  	[dreg:$0x3] =	wrdreg s6  }
0xac: {  	[dreg:$0x4] =	wrdreg $0xC0  }
0xad: {  	_ =	task [dreg:s9], $0x5FFFF  }
0xae: {  	[dreg:$0x1] =	wrdreg $0xFFFFFFFF  }
0xaf: {  	[dreg:$0x0] =	wrdreg $0x60  }
0xb0: {  	[dreg:$0x2] =	wrdreg s2  }
0xb1: {  	[dreg:$0x3] =	wrdreg s19  }
0xb2: {  	[dreg:$0x4] =	wrdreg s4  }
0xb3: {  	[dreg:$0x5] =	wrdreg $0x9  }
0xb4: {  	_ =	task.clear_ibuf [dreg:s9], $0x6FFFF;
	_ =	strace $0x90000046  }
0xb5: {  	s29 =	simm.s32 $0x9;
	_ =	strace $0x80000048  }
0xb6: {  	_ =	swait.ge [sflag:s29], $0x1  }
0xb7: {  	[sflag:s29] =	ssyncadd.s32 $0xFFFFFFFF  }
0xb8: {  	_ =	strace $0x90000048  }
0xb9: {  	_ =	sfence  }
0xba: {  	s30 =	sld [smem:$0x0];
	_ =	sdelay $0x2  }
0xbb: {  	s31 =	sshll.u32 s1, $0xD;
	s1 =	sshrl.u32 s1, $0x2  }
0xbc: {  	s3 =	sand.u32 $0x4000, s31;
	s1 =	sadd.s32 s1, s30  }
0xbd: {  	s0 =	sor.u32 s3, s0;
	s1 =	sshll.u32 s1, $0x11  }
0xbe: {  	s0 =	sor.u32 s1, s0  }
0xbf: {  	s0 =	sadd.s32 $0x8F2B, s0  }
0xc0: {  	[sflag:s0] =	ssyncadd.remote.s32 $0x1  }
0xc1: {  	_ =	sfence.sel $0xFFFF  }
0xc2: {  	[dreg:$0x0] =	wrdreg $0xFFFFFFFF;
	(pc) =	sbr.abs _section_cstart, $3  }
0xc3: {  	[dreg:$0x1] =	wrdreg $0xFFFFFFFF  }
0xc4: {  	_ =	task.clear_ibuf [dreg:s9], $0x2FFFF;
	_ =	strace $0x9FFFFFFF  }
0xc5: {  	(tm) =	ssettm $0x7FFFFFFF  }
tec
execute0_lowered:
.L_overlay_start_1:
0x0: {  	(tag) =	ssettag $0x1  }
0x1: {  	s1 =	srdreg.scid  }
0x2: {  	s3 =	stileid.u32;
	s1 =	sand.u32 $0x1, s1  }
0x3: {  	s0 =	rddreg [dreg:$0x0];
	s5 =	sshll.u32 s3, $0xA;
	s6 =	sshll.u32 s1, $0x9  }
0x4: {  	s2 =	rddreg [dreg:$0x1];
	s5 =	sor.u32 s6, s5  }
0x5: {  	s4 =	rddreg [dreg:$0x2];
	s3 =	simm.s32 $0x0;
	s6 =	sshrl.u32 s5, $0x3  }
0x6: {  	[smem:$0x7FF] =	sst s3;
	s5 =	sshll.u32 s5, $0x6;
	s0 =	sadd.s32 s0, s6  }
0x7: {  	_ =	strace $0x80000047;
	s5 =	sadd.s32 s4, s5;
	[dreg:$0x4] =	wrdreg s0  }
0x8: {  	s12 =	sadd.s32 $0x800, s5;
	[dreg:$0x14] =	wrdreg s5  }
0x9: {  	s13 =	sadd.s32 $0x1000, s5;
	[dreg:$0x5] =	wrdreg s12  }
0xa: {  	s14 =	sadd.s32 $0x1800, s5;
	[dreg:$0x6] =	wrdreg s13  }
0xb: {  	s15 =	sadd.s32 $0x2000, s5;
	[dreg:$0x7] =	wrdreg s14  }
0xc: {  	s29 =	simm.s32 $0x2;
	s16 =	sadd.s32 $0x2800, s5;
	[dreg:$0x8] =	wrdreg s15  }
0xd: {  	s30 =	simm.s32 $0x8;
	s17 =	sadd.s32 $0x3000, s5;
	[dreg:$0x9] =	wrdreg s16  }
0xe: {  	s28 =	simm.s32 $0x9A00;
	s18 =	sadd.s32 $0x3800, s5;
	[dreg:$0xa] =	wrdreg s17  }
0xf: {  	s10 =	simm.s32 $0x14200;
	s19 =	sadd.s32 $0x4000, s5;
	[dreg:$0xb] =	wrdreg s18  }
0x10: {  	s7 =	simm.s32 $0x18200;
	s20 =	sadd.s32 $0x4800, s5;
	[dreg:$0xc] =	wrdreg s19  }
0x11: {  	s1 =	ssub.s32 $0x2, s1;
	s21 =	sadd.s32 $0x5000, s5;
	[dreg:$0xd] =	wrdreg s20  }
0x12: {  	s26 =	sshrl.u32 s1, $0x1;
	s22 =	sadd.s32 $0x5800, s5;
	[dreg:$0xe] =	wrdreg s21  }
0x13: {  	s1 =	ssub.s32 s1, s26;
	s23 =	sadd.s32 $0x6000, s5;
	[dreg:$0xf] =	wrdreg s22  }
0x14: {  	s26 =	simm.s32 $0x4200;
	s24 =	sadd.s32 $0x6800, s5;
	[dreg:$0x10] =	wrdreg s23  }
0x15: {  	s6 =	smax.u32 s1, $0x1;
	s25 =	sadd.s32 $0x7000, s5;
	[dreg:$0x11] =	wrdreg s24  }
0x16: {  	s4 =	simm.s32 $0x9;
	s31 =	sadd.s32 $0x7800, s5;
	[dreg:$0x12] =	wrdreg s25  }
0x17: {  	v2 =	vlaneseq.u32;
	s5 =	sadd.s32 $0x100, s2;
	[dreg:$0x13] =	wrdreg s31;
	s23 =	simm.s32 $0x1  }
0x18: {  	vm0 =	vmmov $0xffff;
	v1 =	vshrl.u32 v2, $0x3;
	s16 =	simm.s32 $0x200;
	s25 =	simm.s32 $0x9200;
	s20 =	simm.s32 $0xB200  }
0x19: {  	v0 =	vand.u32 $0x7, v2;
	v2 =	vor.u32 $0x8, v2;
	v1 =	vmul.u32 $0x8, v1;
	s21 =	simm.s32 $0xBA00;
	s24 =	simm.s32 $0xD200;
	s22 =	simm.s32 $0xC200  }
.LBB2_1:
0x1a: {  	s18 =	rddreg [dreg:$0x4];
	s9 =	simm.s32 $0xF  }
0x1b: {  	[tilespmem:s3], [sflag:$0xF] =	stream.linear.gather [hbm4b:s18+s3], $0x200, $0x38;
	[tilespmem:$0x1C200] =	vst v63  }
0x1c: {  	_ =	swait.ge [sflag:s9], $0x200  }
0x1d: {  	[sflag:s9] =	ssyncset.done $0x0  }
0x1e: {  	[sflag:s9] =	ssyncadd.s32 $0xFFFFFE00  }
0x1f: {  	v3 =	vld [tilespmem:$0x0];
	_ =	sdelay $0x4  }
0x20: {  	v4 =	vshll.u32 v3, $0x2  }
0x21: {  	v3 =	vand.u32 $0x7, v3;
	v4 =	vand.u32 $0xFFFFFFE0, v4  }
0x22: {  	v3 =	vor.u32 v3, v4  }
0x23: {  	v4 =	vperm.xlane v3, v0;
	_ =	sdelay $0x1  }
0x24: {  	v4 =	vadd.s32 v1, v4;
	_ =	sdelay $0x1  }
0x25: {  	v3 =	vperm.xlane v3, v2;
	_ =	sdelay $0x1  }
0x26: {  	v3 =	vadd.s32 v1, v3  }
0x27: {  	[tilespmem:s16], [sflag:$0x1] =	stream.indirect_vreg.gather [hbm4b:s2+s3], $0x80, v4, vm0, $0xb8;
	[tilespmem:$0x1C200] =	vst v63  }
0x28: {  	s0 =	simm.s32 $0xA00  }
0x29: {  	[tilespmem:s0], [sflag:$0x1] =	stream.indirect_vreg.gather [hbm4b:s5+s3], $0x80, v4, vm0, $0xb8;
	[tilespmem:$0x1C200] =	vst v63  }
0x2a: {  	s11 =	simm.s32 $0x1200  }
0x2b: {  	[tilespmem:s11], [sflag:$0x1] =	stream.indirect_vreg.gather [hbm4b:s2+s3], $0x80, v3, vm0, $0xb8;
	[tilespmem:$0x1C200] =	vst v63  }
0x2c: {  	s12 =	simm.s32 $0x1A00  }
0x2d: {  	[tilespmem:s12], [sflag:$0x1] =	stream.indirect_vreg.gather [hbm4b:s5+s3], $0x80, v3, vm0, $0xb8;
	[tilespmem:$0x1C200] =	vst v63  }
0x2e: {  	v3 =	vld [tilespmem:$0x10];
	_ =	sdelay $0x4  }
0x2f: {  	v33 =	vshll.u32 v3, $0x2  }
0x30: {  	v3 =	vand.u32 $0x7, v3;
	v4 =	vand.u32 $0xFFFFFFE0, v33  }
0x31: {  	v3 =	vor.u32 v3, v4  }
0x32: {  	v4 =	vperm.xlane v3, v0;
	_ =	sdelay $0x1  }
0x33: {  	v4 =	vadd.s32 v1, v4;
	_ =	sdelay $0x1  }
0x34: {  	v3 =	vperm.xlane v3, v2;
	_ =	sdelay $0x1  }
0x35: {  	s13 =	simm.s32 $0x2200;
	v3 =	vadd.s32 v1, v3  }
0x36: {  	[tilespmem:s13], [sflag:$0x1] =	stream.indirect_vreg.gather [hbm4b:s2+s3], $0x80, v4, vm0, $0xb8;
	[tilespmem:$0x1C200] =	vst v63  }
0x37: {  	s14 =	simm.s32 $0x2A00  }
0x38: {  	[tilespmem:s14], [sflag:$0x1] =	stream.indirect_vreg.gather [hbm4b:s5+s3], $0x80, v4, vm0, $0xb8;
	[tilespmem:$0x1C200] =	vst v63  }
0x39: {  	s15 =	simm.s32 $0x3200  }
0x3a: {  	[tilespmem:s15], [sflag:$0x1] =	stream.indirect_vreg.gather [hbm4b:s2+s3], $0x80, v3, vm0, $0xb8;
	[tilespmem:$0x1C200] =	vst v63  }
0x3b: {  	s17 =	simm.s32 $0x3A00  }
0x3c: {  	[tilespmem:s17], [sflag:$0x1] =	stream.indirect_vreg.gather [hbm4b:s5+s3], $0x80, v3, vm0, $0xb8;
	[tilespmem:$0x1C200] =	vst v63  }
0x3d: {  	v3 =	vld [tilespmem:$0x20];
	_ =	sdelay $0x4  }
0x3e: {  	v34 =	vshll.u32 v3, $0x2  }
0x3f: {  	v3 =	vand.u32 $0x7, v3;
	v4 =	vand.u32 $0xFFFFFFE0, v34  }
0x40: {  	v3 =	vor.u32 v3, v4  }
0x41: {  	v4 =	vperm.xlane v3, v0;
	_ =	sdelay $0x1  }
0x42: {  	v4 =	vadd.s32 v1, v4;
	_ =	sdelay $0x1  }
0x43: {  	v3 =	vperm.xlane v3, v2;
	_ =	sdelay $0x1  }
0x44: {  	v3 =	vadd.s32 v1, v3  }
0x45: {  	[tilespmem:s26], [sflag:$0x2] =	stream.indirect_vreg.gather [hbm4b:s2+s3], $0x80, v4, vm0, $0xb8;
	[tilespmem:$0x1C200] =	vst v63  }
0x46: {  	s18 =	simm.s32 $0x4A00  }
0x47: {  	[tilespmem:s18], [sflag:$0x2] =	stream.indirect_vreg.gather [hbm4b:s5+s3], $0x80, v4, vm0, $0xb8;
	[tilespmem:$0x1C200] =	vst v63  }
0x48: {  	s19 =	simm.s32 $0x5200  }
0x49: {  	[tilespmem:s19], [sflag:$0x2] =	stream.indirect_vreg.gather [hbm4b:s2+s3], $0x80, v3, vm0, $0xb8;
	[tilespmem:$0x1C200] =	vst v63  }
0x4a: {  	s8 =	simm.s32 $0x5A00  }
0x4b: {  	[tilespmem:s8], [sflag:$0x2] =	stream.indirect_vreg.gather [hbm4b:s5+s3], $0x80, v3, vm0, $0xb8;
	[tilespmem:$0x1C200] =	vst v63  }
0x4c: {  	v3 =	vld [tilespmem:$0x30];
	_ =	sdelay $0x4  }
0x4d: {  	v35 =	vshll.u32 v3, $0x2  }
0x4e: {  	v3 =	vand.u32 $0x7, v3;
	v4 =	vand.u32 $0xFFFFFFE0, v35  }
0x4f: {  	v3 =	vor.u32 v3, v4  }
0x50: {  	v4 =	vperm.xlane v3, v0;
	_ =	sdelay $0x1  }
0x51: {  	v4 =	vadd.s32 v1, v4;
	_ =	sdelay $0x1  }
0x52: {  	v3 =	vperm.xlane v3, v2;
	_ =	sdelay $0x1  }
0x53: {  	s9 =	simm.s32 $0x6200;
	v3 =	vadd.s32 v1, v3  }
0x54: {  	[tilespmem:s9], [sflag:$0x2] =	stream.indirect_vreg.gather [hbm4b:s2+s3], $0x80, v4, vm0, $0xb8;
	[tilespmem:$0x1C200] =	vst v63  }
0x55: {  	s11 =	simm.s32 $0x6A00  }
0x56: {  	[tilespmem:s11], [sflag:$0x2] =	stream.indirect_vreg.gather [hbm4b:s5+s3], $0x80, v4, vm0, $0xb8;
	[tilespmem:$0x1C200] =	vst v63  }
0x57: {  	s12 =	simm.s32 $0x7200  }
0x58: {  	[tilespmem:s12], [sflag:$0x2] =	stream.indirect_vreg.gather [hbm4b:s2+s3], $0x80, v3, vm0, $0xb8;
	[tilespmem:$0x1C200] =	vst v63  }
0x59: {  	s13 =	simm.s32 $0x7A00  }
0x5a: {  	[tilespmem:s13], [sflag:$0x2] =	stream.indirect_vreg.gather [hbm4b:s5+s3], $0x80, v3, vm0, $0xb8;
	[tilespmem:$0x1C200] =	vst v63  }
0x5b: {  	v3 =	vld [tilespmem:$0x40];
	_ =	sdelay $0x4  }
0x5c: {  	v36 =	vshll.u32 v3, $0x2  }
0x5d: {  	v3 =	vand.u32 $0x7, v3;
	v4 =	vand.u32 $0xFFFFFFE0, v36  }
0x5e: {  	v3 =	vor.u32 v3, v4  }
0x5f: {  	v4 =	vperm.xlane v3, v0;
	_ =	sdelay $0x1  }
0x60: {  	v4 =	vadd.s32 v1, v4;
	_ =	sdelay $0x1  }
0x61: {  	v3 =	vperm.xlane v3, v2;
	_ =	sdelay $0x1  }
0x62: {  	s14 =	simm.s32 $0x8200;
	v3 =	vadd.s32 v1, v3  }
0x63: {  	[tilespmem:s14], [sflag:$0x3] =	stream.indirect_vreg.gather [hbm4b:s2+s3], $0x80, v4, vm0, $0xb8;
	[tilespmem:$0x1C200] =	vst v63  }
0x64: {  	s8 =	simm.s32 $0x8A00  }
0x65: {  	[tilespmem:s8], [sflag:$0x3] =	stream.indirect_vreg.gather [hbm4b:s5+s3], $0x80, v4, vm0, $0xb8;
	[tilespmem:$0x1C200] =	vst v63  }
0x66: {  	_ = 	snop  }
0x67: {  	[tilespmem:s25], [sflag:$0x3] =	stream.indirect_vreg.gather [hbm4b:s2+s3], $0x80, v3, vm0, $0xb8;
	[tilespmem:$0x1C200] =	vst v63  }
0x68: {  	_ = 	snop  }
0x69: {  	[tilespmem:s28], [sflag:$0x3] =	stream.indirect_vreg.gather [hbm4b:s5+s3], $0x80, v3, vm0, $0xb8;
	[tilespmem:$0x1C200] =	vst v63  }
0x6a: {  	v3 =	vld [tilespmem:$0x50];
	_ =	sdelay $0x4  }
0x6b: {  	v37 =	vshll.u32 v3, $0x2  }
0x6c: {  	v3 =	vand.u32 $0x7, v3;
	v4 =	vand.u32 $0xFFFFFFE0, v37  }
0x6d: {  	v3 =	vor.u32 v3, v4  }
0x6e: {  	v4 =	vperm.xlane v3, v0;
	_ =	sdelay $0x1  }
0x6f: {  	v4 =	vadd.s32 v1, v4;
	_ =	sdelay $0x1  }
0x70: {  	v3 =	vperm.xlane v3, v2;
	_ =	sdelay $0x1  }
0x71: {  	s9 =	simm.s32 $0xA200;
	v3 =	vadd.s32 v1, v3  }
0x72: {  	[tilespmem:s9], [sflag:$0x3] =	stream.indirect_vreg.gather [hbm4b:s2+s3], $0x80, v4, vm0, $0xb8;
	[tilespmem:$0x1C200] =	vst v63  }
0x73: {  	s19 =	simm.s32 $0xAA00  }
0x74: {  	[tilespmem:s19], [sflag:$0x3] =	stream.indirect_vreg.gather [hbm4b:s5+s3], $0x80, v4, vm0, $0xb8;
	[tilespmem:$0x1C200] =	vst v63  }
0x75: {  	_ = 	snop  }
0x76: {  	[tilespmem:s20], [sflag:$0x3] =	stream.indirect_vreg.gather [hbm4b:s2+s3], $0x80, v3, vm0, $0xb8;
	[tilespmem:$0x1C200] =	vst v63  }
0x77: {  	_ = 	snop  }
0x78: {  	[tilespmem:s21], [sflag:$0x3] =	stream.indirect_vreg.gather [hbm4b:s5+s3], $0x80, v3, vm0, $0xb8;
	[tilespmem:$0x1C200] =	vst v63  }
0x79: {  	v3 =	vld [tilespmem:$0x60];
	_ =	sdelay $0x4  }
0x7a: {  	v38 =	vshll.u32 v3, $0x2  }
0x7b: {  	v3 =	vand.u32 $0x7, v3;
	v4 =	vand.u32 $0xFFFFFFE0, v38  }
0x7c: {  	v3 =	vor.u32 v3, v4  }
0x7d: {  	v4 =	vperm.xlane v3, v0;
	_ =	sdelay $0x1  }
0x7e: {  	v4 =	vadd.s32 v1, v4;
	_ =	sdelay $0x1  }
0x7f: {  	v3 =	vperm.xlane v3, v2;
	_ =	sdelay $0x1  }
0x80: {  	s15 =	simm.s32 $0xC200;
	v3 =	vadd.s32 v1, v3  }
0x81: {  	[tilespmem:s15], [sflag:$0x4] =	stream.indirect_vreg.gather [hbm4b:s2+s3], $0x80, v4, vm0, $0xb8;
	[tilespmem:$0x1C200] =	vst v63  }
0x82: {  	s17 =	simm.s32 $0xCA00  }
0x83: {  	[tilespmem:s17], [sflag:$0x4] =	stream.indirect_vreg.gather [hbm4b:s5+s3], $0x80, v4, vm0, $0xb8;
	[tilespmem:$0x1C200] =	vst v63  }
0x84: {  	_ = 	snop  }
0x85: {  	[tilespmem:s24], [sflag:$0x4] =	stream.indirect_vreg.gather [hbm4b:s2+s3], $0x80, v3, vm0, $0xb8;
	[tilespmem:$0x1C200] =	vst v63  }
0x86: {  	s13 =	simm.s32 $0xDA00  }
0x87: {  	[tilespmem:s13], [sflag:$0x4] =	stream.indirect_vreg.gather [hbm4b:s5+s3], $0x80, v3, vm0, $0xb8;
	[tilespmem:$0x1C200] =	vst v63  }
0x88: {  	v3 =	vld [tilespmem:$0x70];
	_ =	sdelay $0x4  }
0x89: {  	v39 =	vshll.u32 v3, $0x2  }
0x8a: {  	v3 =	vand.u32 $0x7, v3;
	v4 =	vand.u32 $0xFFFFFFE0, v39  }
0x8b: {  	v3 =	vor.u32 v3, v4  }
0x8c: {  	v4 =	vperm.xlane v3, v0;
	_ =	sdelay $0x1  }
0x8d: {  	v4 =	vadd.s32 v1, v4;
	_ =	sdelay $0x1  }
0x8e: {  	v3 =	vperm.xlane v3, v2;
	_ =	sdelay $0x1  }
0x8f: {  	s14 =	simm.s32 $0xE200;
	v3 =	vadd.s32 v1, v3  }
0x90: {  	[tilespmem:s14], [sflag:$0x4] =	stream.indirect_vreg.gather [hbm4b:s2+s3], $0x80, v4, vm0, $0xb8;
	[tilespmem:$0x1C200] =	vst v63  }
0x91: {  	s15 =	simm.s32 $0xEA00  }
0x92: {  	[tilespmem:s15], [sflag:$0x4] =	stream.indirect_vreg.gather [hbm4b:s5+s3], $0x80, v4, vm0, $0xb8;
	[tilespmem:$0x1C200] =	vst v63  }
0x93: {  	s11 =	simm.s32 $0xF200  }
0x94: {  	[tilespmem:s11], [sflag:$0x4] =	stream.indirect_vreg.gather [hbm4b:s2+s3], $0x80, v3, vm0, $0xb8;
	[tilespmem:$0x1C200] =	vst v63  }
0x95: {  	s12 =	simm.s32 $0xFA00  }
0x96: {  	[tilespmem:s12], [sflag:$0x4] =	stream.indirect_vreg.gather [hbm4b:s5+s3], $0x80, v3, vm0, $0xb8;
	[tilespmem:$0x1C200] =	vst v63  }
0x97: {  	v3 =	vld [tilespmem:$0x80];
	_ =	sdelay $0x4  }
0x98: {  	v40 =	vshll.u32 v3, $0x2  }
0x99: {  	v3 =	vand.u32 $0x7, v3;
	v4 =	vand.u32 $0xFFFFFFE0, v40  }
0x9a: {  	v3 =	vor.u32 v3, v4  }
0x9b: {  	v4 =	vperm.xlane v3, v0;
	_ =	sdelay $0x1  }
0x9c: {  	v4 =	vadd.s32 v1, v4;
	_ =	sdelay $0x1  }
0x9d: {  	v3 =	vperm.xlane v3, v2;
	_ =	sdelay $0x1  }
0x9e: {  	s18 =	simm.s32 $0x10200;
	v3 =	vadd.s32 v1, v3  }
0x9f: {  	[tilespmem:s18], [sflag:$0x5] =	stream.indirect_vreg.gather [hbm4b:s2+s3], $0x80, v4, vm0, $0xb8;
	[tilespmem:$0x1C200] =	vst v63  }
0xa0: {  	s17 =	simm.s32 $0x10A00  }
0xa1: {  	[tilespmem:s17], [sflag:$0x5] =	stream.indirect_vreg.gather [hbm4b:s5+s3], $0x80, v4, vm0, $0xb8;
	[tilespmem:$0x1C200] =	vst v63  }
0xa2: {  	s18 =	simm.s32 $0x11200  }
0xa3: {  	[tilespmem:s18], [sflag:$0x5] =	stream.indirect_vreg.gather [hbm4b:s2+s3], $0x80, v3, vm0, $0xb8;
	[tilespmem:$0x1C200] =	vst v63  }
0xa4: {  	s17 =	simm.s32 $0x11A00  }
0xa5: {  	[tilespmem:s17], [sflag:$0x5] =	stream.indirect_vreg.gather [hbm4b:s5+s3], $0x80, v3, vm0, $0xb8;
	[tilespmem:$0x1C200] =	vst v63  }
0xa6: {  	v3 =	vld [tilespmem:$0x90];
	_ =	sdelay $0x4  }
0xa7: {  	v41 =	vshll.u32 v3, $0x2  }
0xa8: {  	v3 =	vand.u32 $0x7, v3;
	v4 =	vand.u32 $0xFFFFFFE0, v41  }
0xa9: {  	v3 =	vor.u32 v3, v4  }
0xaa: {  	v4 =	vperm.xlane v3, v0;
	_ =	sdelay $0x1  }
0xab: {  	v4 =	vadd.s32 v1, v4;
	_ =	sdelay $0x1  }
0xac: {  	v3 =	vperm.xlane v3, v2;
	_ =	sdelay $0x1  }
0xad: {  	s18 =	simm.s32 $0x12200;
	v3 =	vadd.s32 v1, v3  }
0xae: {  	[tilespmem:s18], [sflag:$0x5] =	stream.indirect_vreg.gather [hbm4b:s2+s3], $0x80, v4, vm0, $0xb8;
	[tilespmem:$0x1C200] =	vst v63  }
0xaf: {  	s17 =	simm.s32 $0x12A00  }
0xb0: {  	[tilespmem:s17], [sflag:$0x5] =	stream.indirect_vreg.gather [hbm4b:s5+s3], $0x80, v4, vm0, $0xb8;
	[tilespmem:$0x1C200] =	vst v63  }
0xb1: {  	s18 =	simm.s32 $0x13200  }
0xb2: {  	[tilespmem:s18], [sflag:$0x5] =	stream.indirect_vreg.gather [hbm4b:s2+s3], $0x80, v3, vm0, $0xb8;
	[tilespmem:$0x1C200] =	vst v63  }
0xb3: {  	s17 =	simm.s32 $0x13A00  }
0xb4: {  	[tilespmem:s17], [sflag:$0x5] =	stream.indirect_vreg.gather [hbm4b:s5+s3], $0x80, v3, vm0, $0xb8;
	[tilespmem:$0x1C200] =	vst v63  }
0xb5: {  	v3 =	vld [tilespmem:$0xA0];
	_ =	sdelay $0x4  }
0xb6: {  	v42 =	vshll.u32 v3, $0x2  }
0xb7: {  	v3 =	vand.u32 $0x7, v3;
	v4 =	vand.u32 $0xFFFFFFE0, v42  }
0xb8: {  	v3 =	vor.u32 v3, v4  }
0xb9: {  	v4 =	vperm.xlane v3, v0;
	_ =	sdelay $0x1  }
0xba: {  	v4 =	vadd.s32 v1, v4;
	_ =	sdelay $0x1  }
0xbb: {  	v3 =	vperm.xlane v3, v2;
	_ =	sdelay $0x1  }
0xbc: {  	v3 =	vadd.s32 v1, v3  }
0xbd: {  	[tilespmem:s10], [sflag:$0x6] =	stream.indirect_vreg.gather [hbm4b:s2+s3], $0x80, v4, vm0, $0xb8;
	[tilespmem:$0x1C200] =	vst v63  }
0xbe: {  	s18 =	simm.s32 $0x14A00  }
0xbf: {  	[tilespmem:s18], [sflag:$0x6] =	stream.indirect_vreg.gather [hbm4b:s5+s3], $0x80, v4, vm0, $0xb8;
	[tilespmem:$0x1C200] =	vst v63  }
0xc0: {  	s17 =	simm.s32 $0x15200  }
0xc1: {  	[tilespmem:s17], [sflag:$0x6] =	stream.indirect_vreg.gather [hbm4b:s2+s3], $0x80, v3, vm0, $0xb8;
	[tilespmem:$0x1C200] =	vst v63  }
0xc2: {  	s18 =	simm.s32 $0x15A00  }
0xc3: {  	[tilespmem:s18], [sflag:$0x6] =	stream.indirect_vreg.gather [hbm4b:s5+s3], $0x80, v3, vm0, $0xb8;
	[tilespmem:$0x1C200] =	vst v63  }
0xc4: {  	v3 =	vld [tilespmem:$0xB0];
	_ =	sdelay $0x4  }
0xc5: {  	v43 =	vshll.u32 v3, $0x2  }
0xc6: {  	v3 =	vand.u32 $0x7, v3;
	v4 =	vand.u32 $0xFFFFFFE0, v43  }
0xc7: {  	v3 =	vor.u32 v3, v4  }
0xc8: {  	v4 =	vperm.xlane v3, v0;
	_ =	sdelay $0x1  }
0xc9: {  	v4 =	vadd.s32 v1, v4;
	_ =	sdelay $0x1  }
0xca: {  	v3 =	vperm.xlane v3, v2;
	_ =	sdelay $0x1  }
0xcb: {  	s17 =	simm.s32 $0x16200;
	v3 =	vadd.s32 v1, v3  }
0xcc: {  	[tilespmem:s17], [sflag:$0x6] =	stream.indirect_vreg.gather [hbm4b:s2+s3], $0x80, v4, vm0, $0xb8;
	[tilespmem:$0x1C200] =	vst v63  }
0xcd: {  	s18 =	simm.s32 $0x16A00  }
0xce: {  	[tilespmem:s18], [sflag:$0x6] =	stream.indirect_vreg.gather [hbm4b:s5+s3], $0x80, v4, vm0, $0xb8;
	[tilespmem:$0x1C200] =	vst v63  }
0xcf: {  	s17 =	simm.s32 $0x17200  }
0xd0: {  	[tilespmem:s17], [sflag:$0x6] =	stream.indirect_vreg.gather [hbm4b:s2+s3], $0x80, v3, vm0, $0xb8;
	[tilespmem:$0x1C200] =	vst v63  }
0xd1: {  	s18 =	simm.s32 $0x17A00  }
0xd2: {  	[tilespmem:s18], [sflag:$0x6] =	stream.indirect_vreg.gather [hbm4b:s5+s3], $0x80, v3, vm0, $0xb8;
	[tilespmem:$0x1C200] =	vst v63  }
0xd3: {  	_ =	swait.ge [sflag:s23], $0x4000  }
0xd4: {  	[sflag:s23] =	ssyncset.done $0x0  }
0xd5: {  	s17 =	rddreg [dreg:$0x14];
	[sflag:s23] =	ssyncadd.s32 $0xFFFFC000  }
0xd6: {  	[hbm4b:s17+s3] =	stream.linear.scatter [tilespmem:s16], [sflag:$0x8], $0x4000, $0x38;
	[tilespmem:$0x1C200] =	vst v63  }
0xd7: {  	v3 =	vld [tilespmem:$0xC0];
	_ =	sdelay $0x4  }
0xd8: {  	v44 =	vshll.u32 v3, $0x2  }
0xd9: {  	v3 =	vand.u32 $0x7, v3;
	v4 =	vand.u32 $0xFFFFFFE0, v44  }
0xda: {  	v3 =	vor.u32 v3, v4  }
0xdb: {  	v4 =	vperm.xlane v3, v0;
	_ =	sdelay $0x1  }
0xdc: {  	v4 =	vadd.s32 v1, v4;
	_ =	sdelay $0x1  }
0xdd: {  	v3 =	vperm.xlane v3, v2;
	_ =	sdelay $0x1  }
0xde: {  	v3 =	vadd.s32 v1, v3  }
0xdf: {  	[tilespmem:s7], [sflag:$0x7] =	stream.indirect_vreg.gather [hbm4b:s2+s3], $0x80, v4, vm0, $0xb8;
	[tilespmem:$0x1C200] =	vst v63  }
0xe0: {  	s18 =	simm.s32 $0x18A00  }
0xe1: {  	[tilespmem:s18], [sflag:$0x7] =	stream.indirect_vreg.gather [hbm4b:s5+s3], $0x80, v4, vm0, $0xb8;
	[tilespmem:$0x1C200] =	vst v63  }
0xe2: {  	s17 =	simm.s32 $0x19200  }
0xe3: {  	[tilespmem:s17], [sflag:$0x7] =	stream.indirect_vreg.gather [hbm4b:s2+s3], $0x80, v3, vm0, $0xb8;
	[tilespmem:$0x1C200] =	vst v63  }
0xe4: {  	s18 =	simm.s32 $0x19A00  }
0xe5: {  	[tilespmem:s18], [sflag:$0x7] =	stream.indirect_vreg.gather [hbm4b:s5+s3], $0x80, v3, vm0, $0xb8;
	[tilespmem:$0x1C200] =	vst v63  }
0xe6: {  	v3 =	vld [tilespmem:$0xD0];
	_ =	sdelay $0x4  }
0xe7: {  	v45 =	vshll.u32 v3, $0x2  }
0xe8: {  	v3 =	vand.u32 $0x7, v3;
	v4 =	vand.u32 $0xFFFFFFE0, v45  }
0xe9: {  	v3 =	vor.u32 v3, v4  }
0xea: {  	v4 =	vperm.xlane v3, v0;
	_ =	sdelay $0x1  }
0xeb: {  	v4 =	vadd.s32 v1, v4;
	_ =	sdelay $0x1  }
0xec: {  	v3 =	vperm.xlane v3, v2;
	_ =	sdelay $0x1  }
0xed: {  	s17 =	simm.s32 $0x1A200;
	v3 =	vadd.s32 v1, v3  }
0xee: {  	[tilespmem:s17], [sflag:$0x7] =	stream.indirect_vreg.gather [hbm4b:s2+s3], $0x80, v4, vm0, $0xb8;
	[tilespmem:$0x1C200] =	vst v63  }
0xef: {  	s18 =	simm.s32 $0x1AA00  }
0xf0: {  	[tilespmem:s18], [sflag:$0x7] =	stream.indirect_vreg.gather [hbm4b:s5+s3], $0x80, v4, vm0, $0xb8;
	[tilespmem:$0x1C200] =	vst v63  }
0xf1: {  	s17 =	simm.s32 $0x1B200  }
0xf2: {  	[tilespmem:s17], [sflag:$0x7] =	stream.indirect_vreg.gather [hbm4b:s2+s3], $0x80, v3, vm0, $0xb8;
	[tilespmem:$0x1C200] =	vst v63  }
0xf3: {  	s18 =	simm.s32 $0x1BA00  }
0xf4: {  	[tilespmem:s18], [sflag:$0x7] =	stream.indirect_vreg.gather [hbm4b:s5+s3], $0x80, v3, vm0, $0xb8;
	[tilespmem:$0x1C200] =	vst v63  }
0xf5: {  	_ =	swait.ge [sflag:s29], $0x4000  }
0xf6: {  	[sflag:s29] =	ssyncset.done $0x0  }
0xf7: {  	s0 =	rddreg [dreg:$0x5];
	[sflag:s29] =	ssyncadd.s32 $0xFFFFC000  }
0xf8: {  	[hbm4b:s0+s3] =	stream.linear.scatter [tilespmem:s26], [sflag:$0x9], $0x4000, $0x38;
	[tilespmem:$0x1C200] =	vst v63  }
0xf9: {  	_ =	swait.ge [sflag:s30], $0x4000  }
0xfa: {  	[sflag:s30] =	ssyncset.done $0x0  }
0xfb: {  	[sflag:s30] =	ssyncadd.s32 $0xFFFFC000  }
0xfc: {  	v3 =	vld [tilespmem:$0xE0];
	_ =	sdelay $0x4  }
0xfd: {  	v46 =	vshll.u32 v3, $0x2  }
0xfe: {  	v3 =	vand.u32 $0x7, v3;
	v4 =	vand.u32 $0xFFFFFFE0, v46  }
0xff: {  	v3 =	vor.u32 v3, v4  }
0x100: {  	v4 =	vperm.xlane v3, v0;
	_ =	sdelay $0x1  }
0x101: {  	v4 =	vadd.s32 v1, v4;
	_ =	sdelay $0x1  }
0x102: {  	v3 =	vperm.xlane v3, v2;
	_ =	sdelay $0x1  }
0x103: {  	v3 =	vadd.s32 v1, v3  }
0x104: {  	[tilespmem:s16], [sflag:$0x1] =	stream.indirect_vreg.gather [hbm4b:s2+s3], $0x80, v4, vm0, $0xb8;
	[tilespmem:$0x1C200] =	vst v63  }
0x105: {  	s17 =	simm.s32 $0xA00  }
0x106: {  	[tilespmem:s17], [sflag:$0x1] =	stream.indirect_vreg.gather [hbm4b:s5+s3], $0x80, v4, vm0, $0xb8;
	[tilespmem:$0x1C200] =	vst v63  }
0x107: {  	s18 =	simm.s32 $0x1200  }
0x108: {  	[tilespmem:s18], [sflag:$0x1] =	stream.indirect_vreg.gather [hbm4b:s2+s3], $0x80, v3, vm0, $0xb8;
	[tilespmem:$0x1C200] =	vst v63  }
0x109: {  	s1 =	simm.s32 $0x1A00  }
0x10a: {  	[tilespmem:s1], [sflag:$0x1] =	stream.indirect_vreg.gather [hbm4b:s5+s3], $0x80, v3, vm0, $0xb8;
	[tilespmem:$0x1C200] =	vst v63  }
0x10b: {  	v3 =	vld [tilespmem:$0xF0];
	_ =	sdelay $0x4  }
0x10c: {  	v47 =	vshll.u32 v3, $0x2  }
0x10d: {  	v3 =	vand.u32 $0x7, v3;
	v4 =	vand.u32 $0xFFFFFFE0, v47  }
0x10e: {  	v3 =	vor.u32 v3, v4  }
0x10f: {  	v4 =	vperm.xlane v3, v0;
	_ =	sdelay $0x1  }
0x110: {  	v4 =	vadd.s32 v1, v4;
	_ =	sdelay $0x1  }
0x111: {  	v3 =	vperm.xlane v3, v2;
	_ =	sdelay $0x1  }
0x112: {  	s1 =	simm.s32 $0x2200;
	v3 =	vadd.s32 v1, v3  }
0x113: {  	[tilespmem:s1], [sflag:$0x1] =	stream.indirect_vreg.gather [hbm4b:s2+s3], $0x80, v4, vm0, $0xb8;
	[tilespmem:$0x1C200] =	vst v63  }
0x114: {  	s17 =	simm.s32 $0x2A00  }
0x115: {  	[tilespmem:s17], [sflag:$0x1] =	stream.indirect_vreg.gather [hbm4b:s5+s3], $0x80, v4, vm0, $0xb8;
	[tilespmem:$0x1C200] =	vst v63  }
0x116: {  	s18 =	simm.s32 $0x3200  }
0x117: {  	[tilespmem:s18], [sflag:$0x1] =	stream.indirect_vreg.gather [hbm4b:s2+s3], $0x80, v3, vm0, $0xb8;
	[tilespmem:$0x1C200] =	vst v63  }
0x118: {  	s31 =	simm.s32 $0x3A00;
	s0 =	simm.s32 $0x3  }
0x119: {  	[tilespmem:s31], [sflag:$0x1] =	stream.indirect_vreg.gather [hbm4b:s5+s3], $0x80, v3, vm0, $0xb8;
	[tilespmem:$0x1C200] =	vst v63  }
0x11a: {  	_ =	swait.ge [sflag:s0], $0x4000  }
0x11b: {  	[sflag:s0] =	ssyncset.done $0x0  }
0x11c: {  	s17 =	simm.s32 $0x8200;
	s1 =	rddreg [dreg:$0x6];
	[sflag:s0] =	ssyncadd.s32 $0xFFFFC000  }
0x11d: {  	[hbm4b:s1+s3] =	stream.linear.scatter [tilespmem:s17], [sflag:$0xA], $0x4000, $0x38;
	[tilespmem:$0x1C200] =	vst v63  }
0x11e: {  	_ =	swait.ge [sflag:s4], $0x4000  }
0x11f: {  	[sflag:s4] =	ssyncset.done $0x0  }
0x120: {  	[sflag:s4] =	ssyncadd.s32 $0xFFFFC000  }
0x121: {  	v3 =	vld [tilespmem:$0x100];
	_ =	sdelay $0x4  }
0x122: {  	v48 =	vshll.u32 v3, $0x2  }
0x123: {  	v3 =	vand.u32 $0x7, v3;
	v4 =	vand.u32 $0xFFFFFFE0, v48  }
0x124: {  	v3 =	vor.u32 v3, v4  }
0x125: {  	v4 =	vperm.xlane v3, v0;
	_ =	sdelay $0x1  }
0x126: {  	v4 =	vadd.s32 v1, v4;
	_ =	sdelay $0x1  }
0x127: {  	v3 =	vperm.xlane v3, v2;
	_ =	sdelay $0x1  }
0x128: {  	v3 =	vadd.s32 v1, v3  }
0x129: {  	[tilespmem:s26], [sflag:$0x2] =	stream.indirect_vreg.gather [hbm4b:s2+s3], $0x80, v4, vm0, $0xb8;
	[tilespmem:$0x1C200] =	vst v63  }
0x12a: {  	s31 =	simm.s32 $0x4A00  }
0x12b: {  	[tilespmem:s31], [sflag:$0x2] =	stream.indirect_vreg.gather [hbm4b:s5+s3], $0x80, v4, vm0, $0xb8;
	[tilespmem:$0x1C200] =	vst v63  }
0x12c: {  	s1 =	simm.s32 $0x5200  }
0x12d: {  	[tilespmem:s1], [sflag:$0x2] =	stream.indirect_vreg.gather [hbm4b:s2+s3], $0x80, v3, vm0, $0xb8;
	[tilespmem:$0x1C200] =	vst v63  }
0x12e: {  	s18 =	simm.s32 $0x5A00  }
0x12f: {  	[tilespmem:s18], [sflag:$0x2] =	stream.indirect_vreg.gather [hbm4b:s5+s3], $0x80, v3, vm0, $0xb8;
	[tilespmem:$0x1C200] =	vst v63  }
0x130: {  	v3 =	vld [tilespmem:$0x110];
	_ =	sdelay $0x4  }
0x131: {  	v49 =	vshll.u32 v3, $0x2  }
0x132: {  	v3 =	vand.u32 $0x7, v3;
	v4 =	vand.u32 $0xFFFFFFE0, v49  }
0x133: {  	v3 =	vor.u32 v3, v4  }
0x134: {  	v4 =	vperm.xlane v3, v0;
	_ =	sdelay $0x1  }
0x135: {  	v4 =	vadd.s32 v1, v4;
	_ =	sdelay $0x1  }
0x136: {  	v3 =	vperm.xlane v3, v2;
	_ =	sdelay $0x1  }
0x137: {  	s31 =	simm.s32 $0x6200;
	v3 =	vadd.s32 v1, v3  }
0x138: {  	[tilespmem:s31], [sflag:$0x2] =	stream.indirect_vreg.gather [hbm4b:s2+s3], $0x80, v4, vm0, $0xb8;
	[tilespmem:$0x1C200] =	vst v63  }
0x139: {  	s18 =	simm.s32 $0x6A00  }
0x13a: {  	[tilespmem:s18], [sflag:$0x2] =	stream.indirect_vreg.gather [hbm4b:s5+s3], $0x80, v4, vm0, $0xb8;
	[tilespmem:$0x1C200] =	vst v63  }
0x13b: {  	s31 =	simm.s32 $0x7200  }
0x13c: {  	[tilespmem:s31], [sflag:$0x2] =	stream.indirect_vreg.gather [hbm4b:s2+s3], $0x80, v3, vm0, $0xb8;
	[tilespmem:$0x1C200] =	vst v63  }
0x13d: {  	s1 =	simm.s32 $0x4;
	s18 =	simm.s32 $0x7A00  }
0x13e: {  	[tilespmem:s18], [sflag:$0x2] =	stream.indirect_vreg.gather [hbm4b:s5+s3], $0x80, v3, vm0, $0xb8;
	[tilespmem:$0x1C200] =	vst v63  }
0x13f: {  	_ =	swait.ge [sflag:s1], $0x4000  }
0x140: {  	[sflag:s1] =	ssyncset.done $0x0  }
0x141: {  	s31 =	rddreg [dreg:$0x7];
	[sflag:s1] =	ssyncadd.s32 $0xFFFFC000  }
0x142: {  	[hbm4b:s31+s3] =	stream.linear.scatter [tilespmem:s22], [sflag:$0xB], $0x4000, $0x38;
	[tilespmem:$0x1C200] =	vst v63  }
0x143: {  	s31 =	simm.s32 $0xA  }
0x144: {  	_ =	swait.ge [sflag:s31], $0x4000  }
0x145: {  	[sflag:s31] =	ssyncset.done $0x0  }
0x146: {  	[sflag:s31] =	ssyncadd.s32 $0xFFFFC000  }
0x147: {  	v3 =	vld [tilespmem:$0x120];
	_ =	sdelay $0x4  }
0x148: {  	v50 =	vshll.u32 v3, $0x2  }
0x149: {  	v3 =	vand.u32 $0x7, v3;
	v4 =	vand.u32 $0xFFFFFFE0, v50  }
0x14a: {  	v3 =	vor.u32 v3, v4  }
0x14b: {  	v4 =	vperm.xlane v3, v0;
	_ =	sdelay $0x1  }
0x14c: {  	v4 =	vadd.s32 v1, v4;
	_ =	sdelay $0x1  }
0x14d: {  	v3 =	vperm.xlane v3, v2;
	_ =	sdelay $0x1  }
0x14e: {  	v3 =	vadd.s32 v1, v3  }
0x14f: {  	[tilespmem:s17], [sflag:$0x3] =	stream.indirect_vreg.gather [hbm4b:s2+s3], $0x80, v4, vm0, $0xb8;
	[tilespmem:$0x1C200] =	vst v63  }
0x150: {  	_ = 	snop  }
0x151: {  	[tilespmem:s8], [sflag:$0x3] =	stream.indirect_vreg.gather [hbm4b:s5+s3], $0x80, v4, vm0, $0xb8;
	[tilespmem:$0x1C200] =	vst v63  }
0x152: {  	_ = 	snop  }
0x153: {  	[tilespmem:s25], [sflag:$0x3] =	stream.indirect_vreg.gather [hbm4b:s2+s3], $0x80, v3, vm0, $0xb8;
	[tilespmem:$0x1C200] =	vst v63  }
0x154: {  	_ = 	snop  }
0x155: {  	[tilespmem:s28], [sflag:$0x3] =	stream.indirect_vreg.gather [hbm4b:s5+s3], $0x80, v3, vm0, $0xb8;
	[tilespmem:$0x1C200] =	vst v63  }
0x156: {  	v3 =	vld [tilespmem:$0x130];
	_ =	sdelay $0x4  }
0x157: {  	v51 =	vshll.u32 v3, $0x2  }
0x158: {  	v3 =	vand.u32 $0x7, v3;
	v4 =	vand.u32 $0xFFFFFFE0, v51  }
0x159: {  	v3 =	vor.u32 v3, v4  }
0x15a: {  	v4 =	vperm.xlane v3, v0;
	_ =	sdelay $0x1  }
0x15b: {  	v4 =	vadd.s32 v1, v4;
	_ =	sdelay $0x1  }
0x15c: {  	v3 =	vperm.xlane v3, v2;
	_ =	sdelay $0x1  }
0x15d: {  	v3 =	vadd.s32 v1, v3  }
0x15e: {  	[tilespmem:s9], [sflag:$0x3] =	stream.indirect_vreg.gather [hbm4b:s2+s3], $0x80, v4, vm0, $0xb8;
	[tilespmem:$0x1C200] =	vst v63  }
0x15f: {  	_ = 	snop  }
0x160: {  	[tilespmem:s19], [sflag:$0x3] =	stream.indirect_vreg.gather [hbm4b:s5+s3], $0x80, v4, vm0, $0xb8;
	[tilespmem:$0x1C200] =	vst v63  }
0x161: {  	_ = 	snop  }
0x162: {  	[tilespmem:s20], [sflag:$0x3] =	stream.indirect_vreg.gather [hbm4b:s2+s3], $0x80, v3, vm0, $0xb8;
	[tilespmem:$0x1C200] =	vst v63  }
0x163: {  	s8 =	simm.s32 $0x5  }
0x164: {  	[tilespmem:s21], [sflag:$0x3] =	stream.indirect_vreg.gather [hbm4b:s5+s3], $0x80, v3, vm0, $0xb8;
	[tilespmem:$0x1C200] =	vst v63  }
0x165: {  	_ =	swait.ge [sflag:s8], $0x4000  }
0x166: {  	[sflag:s8] =	ssyncset.done $0x0  }
0x167: {  	s17 =	simm.s32 $0x10200;
	s9 =	rddreg [dreg:$0x8];
	[sflag:s8] =	ssyncadd.s32 $0xFFFFC000  }
0x168: {  	[hbm4b:s9+s3] =	stream.linear.scatter [tilespmem:s17], [sflag:$0xC], $0x4000, $0x38;
	[tilespmem:$0x1C200] =	vst v63  }
0x169: {  	s9 =	simm.s32 $0xB  }
0x16a: {  	_ =	swait.ge [sflag:s9], $0x4000  }
0x16b: {  	[sflag:s9] =	ssyncset.done $0x0  }
0x16c: {  	[sflag:s9] =	ssyncadd.s32 $0xFFFFC000  }
0x16d: {  	v3 =	vld [tilespmem:$0x140];
	_ =	sdelay $0x4  }
0x16e: {  	v52 =	vshll.u32 v3, $0x2  }
0x16f: {  	v3 =	vand.u32 $0x7, v3;
	v4 =	vand.u32 $0xFFFFFFE0, v52  }
0x170: {  	v3 =	vor.u32 v3, v4  }
0x171: {  	v4 =	vperm.xlane v3, v0;
	_ =	sdelay $0x1  }
0x172: {  	v4 =	vadd.s32 v1, v4;
	_ =	sdelay $0x1  }
0x173: {  	v3 =	vperm.xlane v3, v2;
	_ =	sdelay $0x1  }
0x174: {  	v3 =	vadd.s32 v1, v3  }
0x175: {  	[tilespmem:s22], [sflag:$0x4] =	stream.indirect_vreg.gather [hbm4b:s2+s3], $0x80, v4, vm0, $0xb8;
	[tilespmem:$0x1C200] =	vst v63  }
0x176: {  	s18 =	simm.s32 $0xCA00  }
0x177: {  	[tilespmem:s18], [sflag:$0x4] =	stream.indirect_vreg.gather [hbm4b:s5+s3], $0x80, v4, vm0, $0xb8;
	[tilespmem:$0x1C200] =	vst v63  }
0x178: {  	_ = 	snop  }
0x179: {  	[tilespmem:s24], [sflag:$0x4] =	stream.indirect_vreg.gather [hbm4b:s2+s3], $0x80, v3, vm0, $0xb8;
	[tilespmem:$0x1C200] =	vst v63  }
0x17a: {  	_ = 	snop  }
0x17b: {  	[tilespmem:s13], [sflag:$0x4] =	stream.indirect_vreg.gather [hbm4b:s5+s3], $0x80, v3, vm0, $0xb8;
	[tilespmem:$0x1C200] =	vst v63  }
0x17c: {  	v3 =	vld [tilespmem:$0x150];
	_ =	sdelay $0x4  }
0x17d: {  	v53 =	vshll.u32 v3, $0x2  }
0x17e: {  	v3 =	vand.u32 $0x7, v3;
	v4 =	vand.u32 $0xFFFFFFE0, v53  }
0x17f: {  	v3 =	vor.u32 v3, v4  }
0x180: {  	v4 =	vperm.xlane v3, v0;
	_ =	sdelay $0x1  }
0x181: {  	v4 =	vadd.s32 v1, v4;
	_ =	sdelay $0x1  }
0x182: {  	v3 =	vperm.xlane v3, v2;
	_ =	sdelay $0x1  }
0x183: {  	v3 =	vadd.s32 v1, v3  }
0x184: {  	[tilespmem:s14], [sflag:$0x4] =	stream.indirect_vreg.gather [hbm4b:s2+s3], $0x80, v4, vm0, $0xb8;
	[tilespmem:$0x1C200] =	vst v63  }
0x185: {  	_ = 	snop  }
0x186: {  	[tilespmem:s15], [sflag:$0x4] =	stream.indirect_vreg.gather [hbm4b:s5+s3], $0x80, v4, vm0, $0xb8;
	[tilespmem:$0x1C200] =	vst v63  }
0x187: {  	_ = 	snop  }
0x188: {  	[tilespmem:s11], [sflag:$0x4] =	stream.indirect_vreg.gather [hbm4b:s2+s3], $0x80, v3, vm0, $0xb8;
	[tilespmem:$0x1C200] =	vst v63  }
0x189: {  	s11 =	simm.s32 $0x6  }
0x18a: {  	[tilespmem:s12], [sflag:$0x4] =	stream.indirect_vreg.gather [hbm4b:s5+s3], $0x80, v3, vm0, $0xb8;
	[tilespmem:$0x1C200] =	vst v63  }
0x18b: {  	_ =	swait.ge [sflag:s11], $0x4000  }
0x18c: {  	[sflag:s11] =	ssyncset.done $0x0  }
0x18d: {  	s12 =	simm.s32 $0xC;
	s13 =	rddreg [dreg:$0x9];
	[sflag:s11] =	ssyncadd.s32 $0xFFFFC000  }
0x18e: {  	[hbm4b:s13+s3] =	stream.linear.scatter [tilespmem:s10], [sflag:$0xD], $0x4000, $0x38;
	[tilespmem:$0x1C200] =	vst v63  }
0x18f: {  	_ =	swait.ge [sflag:s12], $0x4000  }
0x190: {  	[sflag:s12] =	ssyncset.done $0x0  }
0x191: {  	[sflag:s12] =	ssyncadd.s32 $0xFFFFC000  }
0x192: {  	v3 =	vld [tilespmem:$0x160];
	_ =	sdelay $0x4  }
0x193: {  	v54 =	vshll.u32 v3, $0x2  }
0x194: {  	v3 =	vand.u32 $0x7, v3;
	v4 =	vand.u32 $0xFFFFFFE0, v54  }
0x195: {  	v3 =	vor.u32 v3, v4  }
0x196: {  	v4 =	vperm.xlane v3, v0;
	_ =	sdelay $0x1  }
0x197: {  	v4 =	vadd.s32 v1, v4;
	_ =	sdelay $0x1  }
0x198: {  	v3 =	vperm.xlane v3, v2;
	_ =	sdelay $0x1  }
0x199: {  	v3 =	vadd.s32 v1, v3  }
0x19a: {  	[tilespmem:s17], [sflag:$0x5] =	stream.indirect_vreg.gather [hbm4b:s2+s3], $0x80, v4, vm0, $0xb8;
	[tilespmem:$0x1C200] =	vst v63  }
0x19b: {  	s14 =	simm.s32 $0x10A00  }
0x19c: {  	[tilespmem:s14], [sflag:$0x5] =	stream.indirect_vreg.gather [hbm4b:s5+s3], $0x80, v4, vm0, $0xb8;
	[tilespmem:$0x1C200] =	vst v63  }
0x19d: {  	s15 =	simm.s32 $0x11200  }
0x19e: {  	[tilespmem:s15], [sflag:$0x5] =	stream.indirect_vreg.gather [hbm4b:s2+s3], $0x80, v3, vm0, $0xb8;
	[tilespmem:$0x1C200] =	vst v63  }
0x19f: {  	s18 =	simm.s32 $0x11A00  }
0x1a0: {  	[tilespmem:s18], [sflag:$0x5] =	stream.indirect_vreg.gather [hbm4b:s5+s3], $0x80, v3, vm0, $0xb8;
	[tilespmem:$0x1C200] =	vst v63  }
0x1a1: {  	v3 =	vld [tilespmem:$0x170];
	_ =	sdelay $0x4  }
0x1a2: {  	v55 =	vshll.u32 v3, $0x2  }
0x1a3: {  	v3 =	vand.u32 $0x7, v3;
	v4 =	vand.u32 $0xFFFFFFE0, v55  }
0x1a4: {  	v3 =	vor.u32 v3, v4  }
0x1a5: {  	v4 =	vperm.xlane v3, v0;
	_ =	sdelay $0x1  }
0x1a6: {  	v4 =	vadd.s32 v1, v4;
	_ =	sdelay $0x1  }
0x1a7: {  	v3 =	vperm.xlane v3, v2;
	_ =	sdelay $0x1  }
0x1a8: {  	s14 =	simm.s32 $0x12200;
	v3 =	vadd.s32 v1, v3  }
0x1a9: {  	[tilespmem:s14], [sflag:$0x5] =	stream.indirect_vreg.gather [hbm4b:s2+s3], $0x80, v4, vm0, $0xb8;
	[tilespmem:$0x1C200] =	vst v63  }
0x1aa: {  	s15 =	simm.s32 $0x12A00  }
0x1ab: {  	[tilespmem:s15], [sflag:$0x5] =	stream.indirect_vreg.gather [hbm4b:s5+s3], $0x80, v4, vm0, $0xb8;
	[tilespmem:$0x1C200] =	vst v63  }
0x1ac: {  	s18 =	simm.s32 $0x13200  }
0x1ad: {  	[tilespmem:s18], [sflag:$0x5] =	stream.indirect_vreg.gather [hbm4b:s2+s3], $0x80, v3, vm0, $0xb8;
	[tilespmem:$0x1C200] =	vst v63  }
0x1ae: {  	s13 =	simm.s32 $0x7;
	s14 =	simm.s32 $0x13A00  }
0x1af: {  	[tilespmem:s14], [sflag:$0x5] =	stream.indirect_vreg.gather [hbm4b:s5+s3], $0x80, v3, vm0, $0xb8;
	[tilespmem:$0x1C200] =	vst v63  }
0x1b0: {  	_ =	swait.ge [sflag:s13], $0x4000  }
0x1b1: {  	[sflag:s13] =	ssyncset.done $0x0  }
0x1b2: {  	s14 =	simm.s32 $0xD;
	s15 =	rddreg [dreg:$0xa];
	[sflag:s13] =	ssyncadd.s32 $0xFFFFC000  }
0x1b3: {  	[hbm4b:s15+s3] =	stream.linear.scatter [tilespmem:s7], [sflag:$0xE], $0x4000, $0x38;
	[tilespmem:$0x1C200] =	vst v63  }
0x1b4: {  	_ =	swait.ge [sflag:s14], $0x4000  }
0x1b5: {  	[sflag:s14] =	ssyncset.done $0x0  }
0x1b6: {  	[sflag:s14] =	ssyncadd.s32 $0xFFFFC000  }
0x1b7: {  	v3 =	vld [tilespmem:$0x180];
	_ =	sdelay $0x4  }
0x1b8: {  	v56 =	vshll.u32 v3, $0x2  }
0x1b9: {  	v3 =	vand.u32 $0x7, v3;
	v4 =	vand.u32 $0xFFFFFFE0, v56  }
0x1ba: {  	v3 =	vor.u32 v3, v4  }
0x1bb: {  	v4 =	vperm.xlane v3, v0;
	_ =	sdelay $0x1  }
0x1bc: {  	v4 =	vadd.s32 v1, v4;
	_ =	sdelay $0x1  }
0x1bd: {  	v3 =	vperm.xlane v3, v2;
	_ =	sdelay $0x1  }
0x1be: {  	v3 =	vadd.s32 v1, v3  }
0x1bf: {  	[tilespmem:s10], [sflag:$0x6] =	stream.indirect_vreg.gather [hbm4b:s2+s3], $0x80, v4, vm0, $0xb8;
	[tilespmem:$0x1C200] =	vst v63  }
0x1c0: {  	s18 =	simm.s32 $0x14A00  }
0x1c1: {  	[tilespmem:s18], [sflag:$0x6] =	stream.indirect_vreg.gather [hbm4b:s5+s3], $0x80, v4, vm0, $0xb8;
	[tilespmem:$0x1C200] =	vst v63  }
0x1c2: {  	s18 =	simm.s32 $0x15200  }
0x1c3: {  	[tilespmem:s18], [sflag:$0x6] =	stream.indirect_vreg.gather [hbm4b:s2+s3], $0x80, v3, vm0, $0xb8;
	[tilespmem:$0x1C200] =	vst v63  }
0x1c4: {  	s18 =	simm.s32 $0x15A00  }
0x1c5: {  	[tilespmem:s18], [sflag:$0x6] =	stream.indirect_vreg.gather [hbm4b:s5+s3], $0x80, v3, vm0, $0xb8;
	[tilespmem:$0x1C200] =	vst v63  }
0x1c6: {  	v3 =	vld [tilespmem:$0x190];
	_ =	sdelay $0x4  }
0x1c7: {  	v57 =	vshll.u32 v3, $0x2  }
0x1c8: {  	v3 =	vand.u32 $0x7, v3;
	v4 =	vand.u32 $0xFFFFFFE0, v57  }
0x1c9: {  	v3 =	vor.u32 v3, v4  }
0x1ca: {  	v4 =	vperm.xlane v3, v0;
	_ =	sdelay $0x1  }
0x1cb: {  	v4 =	vadd.s32 v1, v4;
	_ =	sdelay $0x1  }
0x1cc: {  	v3 =	vperm.xlane v3, v2;
	_ =	sdelay $0x1  }
0x1cd: {  	s18 =	simm.s32 $0x16200;
	v3 =	vadd.s32 v1, v3  }
0x1ce: {  	[tilespmem:s18], [sflag:$0x6] =	stream.indirect_vreg.gather [hbm4b:s2+s3], $0x80, v4, vm0, $0xb8;
	[tilespmem:$0x1C200] =	vst v63  }
0x1cf: {  	s18 =	simm.s32 $0x16A00  }
0x1d0: {  	[tilespmem:s18], [sflag:$0x6] =	stream.indirect_vreg.gather [hbm4b:s5+s3], $0x80, v4, vm0, $0xb8;
	[tilespmem:$0x1C200] =	vst v63  }
0x1d1: {  	s18 =	simm.s32 $0x17200  }
0x1d2: {  	[tilespmem:s18], [sflag:$0x6] =	stream.indirect_vreg.gather [hbm4b:s2+s3], $0x80, v3, vm0, $0xb8;
	[tilespmem:$0x1C200] =	vst v63  }
0x1d3: {  	s18 =	simm.s32 $0x17A00  }
0x1d4: {  	[tilespmem:s18], [sflag:$0x6] =	stream.indirect_vreg.gather [hbm4b:s5+s3], $0x80, v3, vm0, $0xb8;
	[tilespmem:$0x1C200] =	vst v63  }
0x1d5: {  	_ =	swait.ge [sflag:s23], $0x4000  }
0x1d6: {  	[sflag:s23] =	ssyncset.done $0x0  }
0x1d7: {  	s15 =	rddreg [dreg:$0xb];
	[sflag:s23] =	ssyncadd.s32 $0xFFFFC000  }
0x1d8: {  	[hbm4b:s15+s3] =	stream.linear.scatter [tilespmem:s16], [sflag:$0x8], $0x4000, $0x38;
	[tilespmem:$0x1C200] =	vst v63  }
0x1d9: {  	s15 =	simm.s32 $0xE  }
0x1da: {  	_ =	swait.ge [sflag:s15], $0x4000  }
0x1db: {  	[sflag:s15] =	ssyncset.done $0x0  }
0x1dc: {  	[sflag:s15] =	ssyncadd.s32 $0xFFFFC000  }
0x1dd: {  	v3 =	vld [tilespmem:$0x1A0];
	_ =	sdelay $0x4  }
0x1de: {  	v58 =	vshll.u32 v3, $0x2  }
0x1df: {  	v3 =	vand.u32 $0x7, v3;
	v4 =	vand.u32 $0xFFFFFFE0, v58  }
0x1e0: {  	v3 =	vor.u32 v3, v4  }
0x1e1: {  	v4 =	vperm.xlane v3, v0;
	_ =	sdelay $0x1  }
0x1e2: {  	v4 =	vadd.s32 v1, v4;
	_ =	sdelay $0x1  }
0x1e3: {  	v3 =	vperm.xlane v3, v2;
	_ =	sdelay $0x1  }
0x1e4: {  	v3 =	vadd.s32 v1, v3  }
0x1e5: {  	[tilespmem:s7], [sflag:$0x7] =	stream.indirect_vreg.gather [hbm4b:s2+s3], $0x80, v4, vm0, $0xb8;
	[tilespmem:$0x1C200] =	vst v63  }
0x1e6: {  	s18 =	simm.s32 $0x18A00  }
0x1e7: {  	[tilespmem:s18], [sflag:$0x7] =	stream.indirect_vreg.gather [hbm4b:s5+s3], $0x80, v4, vm0, $0xb8;
	[tilespmem:$0x1C200] =	vst v63  }
0x1e8: {  	s18 =	simm.s32 $0x19200  }
0x1e9: {  	[tilespmem:s18], [sflag:$0x7] =	stream.indirect_vreg.gather [hbm4b:s2+s3], $0x80, v3, vm0, $0xb8;
	[tilespmem:$0x1C200] =	vst v63  }
0x1ea: {  	s18 =	simm.s32 $0x19A00  }
0x1eb: {  	[tilespmem:s18], [sflag:$0x7] =	stream.indirect_vreg.gather [hbm4b:s5+s3], $0x80, v3, vm0, $0xb8;
	[tilespmem:$0x1C200] =	vst v63  }
0x1ec: {  	v3 =	vld [tilespmem:$0x1B0];
	_ =	sdelay $0x4  }
0x1ed: {  	v59 =	vshll.u32 v3, $0x2  }
0x1ee: {  	v3 =	vand.u32 $0x7, v3;
	v4 =	vand.u32 $0xFFFFFFE0, v59  }
0x1ef: {  	v3 =	vor.u32 v3, v4  }
0x1f0: {  	v4 =	vperm.xlane v3, v0;
	_ =	sdelay $0x1  }
0x1f1: {  	v4 =	vadd.s32 v1, v4;
	_ =	sdelay $0x1  }
0x1f2: {  	v3 =	vperm.xlane v3, v2;
	_ =	sdelay $0x1  }
0x1f3: {  	s18 =	simm.s32 $0x1A200;
	v3 =	vadd.s32 v1, v3  }
0x1f4: {  	[tilespmem:s18], [sflag:$0x7] =	stream.indirect_vreg.gather [hbm4b:s2+s3], $0x80, v4, vm0, $0xb8;
	[tilespmem:$0x1C200] =	vst v63  }
0x1f5: {  	s18 =	simm.s32 $0x1AA00  }
0x1f6: {  	[tilespmem:s18], [sflag:$0x7] =	stream.indirect_vreg.gather [hbm4b:s5+s3], $0x80, v4, vm0, $0xb8;
	[tilespmem:$0x1C200] =	vst v63  }
0x1f7: {  	s18 =	simm.s32 $0x1B200  }
0x1f8: {  	[tilespmem:s18], [sflag:$0x7] =	stream.indirect_vreg.gather [hbm4b:s2+s3], $0x80, v3, vm0, $0xb8;
	[tilespmem:$0x1C200] =	vst v63  }
0x1f9: {  	s18 =	simm.s32 $0x1BA00  }
0x1fa: {  	[tilespmem:s18], [sflag:$0x7] =	stream.indirect_vreg.gather [hbm4b:s5+s3], $0x80, v3, vm0, $0xb8;
	[tilespmem:$0x1C200] =	vst v63  }
0x1fb: {  	_ =	swait.ge [sflag:s29], $0x4000  }
0x1fc: {  	[sflag:s29] =	ssyncset.done $0x0  }
0x1fd: {  	s18 =	rddreg [dreg:$0xc];
	[sflag:s29] =	ssyncadd.s32 $0xFFFFC000  }
0x1fe: {  	[hbm4b:s18+s3] =	stream.linear.scatter [tilespmem:s26], [sflag:$0x9], $0x4000, $0x38;
	[tilespmem:$0x1C200] =	vst v63  }
0x1ff: {  	_ =	swait.ge [sflag:s30], $0x4000  }
0x200: {  	[sflag:s30] =	ssyncset.done $0x0  }
0x201: {  	[sflag:s30] =	ssyncadd.s32 $0xFFFFC000  }
0x202: {  	v3 =	vld [tilespmem:$0x1C0];
	_ =	sdelay $0x4  }
0x203: {  	v60 =	vshll.u32 v3, $0x2  }
0x204: {  	v3 =	vand.u32 $0x7, v3;
	v4 =	vand.u32 $0xFFFFFFE0, v60  }
0x205: {  	v3 =	vor.u32 v3, v4  }
0x206: {  	v4 =	vperm.xlane v3, v0;
	_ =	sdelay $0x1  }
0x207: {  	v4 =	vadd.s32 v1, v4;
	_ =	sdelay $0x1  }
0x208: {  	v3 =	vperm.xlane v3, v2;
	_ =	sdelay $0x1  }
0x209: {  	v3 =	vadd.s32 v1, v3  }
0x20a: {  	[tilespmem:s16], [sflag:$0x1] =	stream.indirect_vreg.gather [hbm4b:s2+s3], $0x80, v4, vm0, $0xb8;
	[tilespmem:$0x1C200] =	vst v63  }
0x20b: {  	s18 =	simm.s32 $0xA00  }
0x20c: {  	[tilespmem:s18], [sflag:$0x1] =	stream.indirect_vreg.gather [hbm4b:s5+s3], $0x80, v4, vm0, $0xb8;
	[tilespmem:$0x1C200] =	vst v63  }
0x20d: {  	s18 =	simm.s32 $0x1200  }
0x20e: {  	[tilespmem:s18], [sflag:$0x1] =	stream.indirect_vreg.gather [hbm4b:s2+s3], $0x80, v3, vm0, $0xb8;
	[tilespmem:$0x1C200] =	vst v63  }
0x20f: {  	s18 =	simm.s32 $0x1A00  }
0x210: {  	[tilespmem:s18], [sflag:$0x1] =	stream.indirect_vreg.gather [hbm4b:s5+s3], $0x80, v3, vm0, $0xb8;
	[tilespmem:$0x1C200] =	vst v63  }
0x211: {  	v3 =	vld [tilespmem:$0x1D0];
	_ =	sdelay $0x4  }
0x212: {  	v61 =	vshll.u32 v3, $0x2  }
0x213: {  	v3 =	vand.u32 $0x7, v3;
	v4 =	vand.u32 $0xFFFFFFE0, v61  }
0x214: {  	v3 =	vor.u32 v3, v4  }
0x215: {  	v4 =	vperm.xlane v3, v0;
	_ =	sdelay $0x1  }
0x216: {  	v4 =	vadd.s32 v1, v4;
	_ =	sdelay $0x1  }
0x217: {  	v3 =	vperm.xlane v3, v2;
	_ =	sdelay $0x1  }
0x218: {  	s18 =	simm.s32 $0x2200;
	v3 =	vadd.s32 v1, v3  }
0x219: {  	[tilespmem:s18], [sflag:$0x1] =	stream.indirect_vreg.gather [hbm4b:s2+s3], $0x80, v4, vm0, $0xb8;
	[tilespmem:$0x1C200] =	vst v63  }
0x21a: {  	s18 =	simm.s32 $0x2A00  }
0x21b: {  	[tilespmem:s18], [sflag:$0x1] =	stream.indirect_vreg.gather [hbm4b:s5+s3], $0x80, v4, vm0, $0xb8;
	[tilespmem:$0x1C200] =	vst v63  }
0x21c: {  	s18 =	simm.s32 $0x3200  }
0x21d: {  	[tilespmem:s18], [sflag:$0x1] =	stream.indirect_vreg.gather [hbm4b:s2+s3], $0x80, v3, vm0, $0xb8;
	[tilespmem:$0x1C200] =	vst v63  }
0x21e: {  	s18 =	simm.s32 $0x3A00  }
0x21f: {  	[tilespmem:s18], [sflag:$0x1] =	stream.indirect_vreg.gather [hbm4b:s5+s3], $0x80, v3, vm0, $0xb8;
	[tilespmem:$0x1C200] =	vst v63  }
0x220: {  	_ =	swait.ge [sflag:s0], $0x4000  }
0x221: {  	[sflag:s0] =	ssyncset.done $0x0  }
0x222: {  	s18 =	rddreg [dreg:$0xd];
	[sflag:s0] =	ssyncadd.s32 $0xFFFFC000;
	s0 =	simm.s32 $0x8200  }
0x223: {  	[hbm4b:s18+s3] =	stream.linear.scatter [tilespmem:s0], [sflag:$0xA], $0x4000, $0x38;
	[tilespmem:$0x1C200] =	vst v63  }
0x224: {  	_ =	swait.ge [sflag:s4], $0x4000  }
0x225: {  	[sflag:s4] =	ssyncset.done $0x0  }
0x226: {  	[sflag:s4] =	ssyncadd.s32 $0xFFFFC000  }
0x227: {  	v3 =	vld [tilespmem:$0x1E0];
	_ =	sdelay $0x4  }
0x228: {  	v62 =	vshll.u32 v3, $0x2  }
0x229: {  	v3 =	vand.u32 $0x7, v3;
	v4 =	vand.u32 $0xFFFFFFE0, v62  }
0x22a: {  	v3 =	vor.u32 v3, v4  }
0x22b: {  	v4 =	vperm.xlane v3, v0;
	_ =	sdelay $0x1  }
0x22c: {  	v4 =	vadd.s32 v1, v4;
	_ =	sdelay $0x1  }
0x22d: {  	v3 =	vperm.xlane v3, v2;
	_ =	sdelay $0x1  }
0x22e: {  	v3 =	vadd.s32 v1, v3  }
0x22f: {  	[tilespmem:s26], [sflag:$0x2] =	stream.indirect_vreg.gather [hbm4b:s2+s3], $0x80, v4, vm0, $0xb8;
	[tilespmem:$0x1C200] =	vst v63  }
0x230: {  	s18 =	simm.s32 $0x4A00  }
0x231: {  	[tilespmem:s18], [sflag:$0x2] =	stream.indirect_vreg.gather [hbm4b:s5+s3], $0x80, v4, vm0, $0xb8;
	[tilespmem:$0x1C200] =	vst v63  }
0x232: {  	s18 =	simm.s32 $0x5200  }
0x233: {  	[tilespmem:s18], [sflag:$0x2] =	stream.indirect_vreg.gather [hbm4b:s2+s3], $0x80, v3, vm0, $0xb8;
	[tilespmem:$0x1C200] =	vst v63  }
0x234: {  	s18 =	simm.s32 $0x5A00  }
0x235: {  	[tilespmem:s18], [sflag:$0x2] =	stream.indirect_vreg.gather [hbm4b:s5+s3], $0x80, v3, vm0, $0xb8;
	[tilespmem:$0x1C200] =	vst v63  }
0x236: {  	v3 =	vld [tilespmem:$0x1F0];
	_ =	sdelay $0x4  }
0x237: {  	v63 =	vshll.u32 v3, $0x2  }
0x238: {  	v3 =	vand.u32 $0x7, v3;
	v4 =	vand.u32 $0xFFFFFFE0, v63  }
0x239: {  	v3 =	vor.u32 v3, v4  }
0x23a: {  	v4 =	vperm.xlane v3, v0;
	_ =	sdelay $0x1  }
0x23b: {  	v4 =	vadd.s32 v1, v4;
	_ =	sdelay $0x1  }
0x23c: {  	v3 =	vperm.xlane v3, v2;
	_ =	sdelay $0x1  }
0x23d: {  	s18 =	simm.s32 $0x6200;
	v3 =	vadd.s32 v1, v3  }
0x23e: {  	[tilespmem:s18], [sflag:$0x2] =	stream.indirect_vreg.gather [hbm4b:s2+s3], $0x80, v4, vm0, $0xb8;
	[tilespmem:$0x1C200] =	vst v63  }
0x23f: {  	s18 =	simm.s32 $0x6A00  }
0x240: {  	[tilespmem:s18], [sflag:$0x2] =	stream.indirect_vreg.gather [hbm4b:s5+s3], $0x80, v4, vm0, $0xb8;
	[tilespmem:$0x1C200] =	vst v63  }
0x241: {  	s18 =	simm.s32 $0x7200  }
0x242: {  	[tilespmem:s18], [sflag:$0x2] =	stream.indirect_vreg.gather [hbm4b:s2+s3], $0x80, v3, vm0, $0xb8;
	[tilespmem:$0x1C200] =	vst v63  }
0x243: {  	s18 =	simm.s32 $0x7A00  }
0x244: {  	[tilespmem:s18], [sflag:$0x2] =	stream.indirect_vreg.gather [hbm4b:s5+s3], $0x80, v3, vm0, $0xb8;
	[tilespmem:$0x1C200] =	vst v63  }
0x245: {  	_ =	swait.ge [sflag:s1], $0x4000  }
0x246: {  	[sflag:s1] =	ssyncset.done $0x0  }
0x247: {  	s19 =	simm.s32 $0xC200;
	s0 =	rddreg [dreg:$0xe];
	[sflag:s1] =	ssyncadd.s32 $0xFFFFC000  }
0x248: {  	[hbm4b:s0+s3] =	stream.linear.scatter [tilespmem:s19], [sflag:$0xB], $0x4000, $0x38;
	[tilespmem:$0x1C200] =	vst v63  }
0x249: {  	_ =	swait.ge [sflag:s8], $0x4000  }
0x24a: {  	[sflag:s8] =	ssyncset.done $0x0  }
0x24b: {  	s17 =	simm.s32 $0x10200;
	s1 =	rddreg [dreg:$0xf];
	[sflag:s8] =	ssyncadd.s32 $0xFFFFC000  }
0x24c: {  	[hbm4b:s1+s3] =	stream.linear.scatter [tilespmem:s17], [sflag:$0xC], $0x4000, $0x38;
	[tilespmem:$0x1C200] =	vst v63  }
0x24d: {  	_ =	swait.ge [sflag:s11], $0x4000  }
0x24e: {  	[sflag:s11] =	ssyncset.done $0x0  }
0x24f: {  	s8 =	rddreg [dreg:$0x10];
	[sflag:s11] =	ssyncadd.s32 $0xFFFFC000  }
0x250: {  	[hbm4b:s8+s3] =	stream.linear.scatter [tilespmem:s10], [sflag:$0xD], $0x4000, $0x38;
	[tilespmem:$0x1C200] =	vst v63  }
0x251: {  	_ =	swait.ge [sflag:s13], $0x4000  }
0x252: {  	[sflag:s13] =	ssyncset.done $0x0  }
0x253: {  	s11 =	rddreg [dreg:$0x11];
	[sflag:s13] =	ssyncadd.s32 $0xFFFFC000  }
0x254: {  	[hbm4b:s11+s3] =	stream.linear.scatter [tilespmem:s7], [sflag:$0xE], $0x4000, $0x38;
	[tilespmem:$0x1C200] =	vst v63  }
0x255: {  	_ =	swait.ge [sflag:s23], $0x4000  }
0x256: {  	[sflag:s23] =	ssyncset.done $0x0  }
0x257: {  	s17 =	rddreg [dreg:$0x12];
	[sflag:s23] =	ssyncadd.s32 $0xFFFFC000  }
0x258: {  	[hbm4b:s17+s3] =	stream.linear.scatter [tilespmem:s16], [sflag:$0x8], $0x4000, $0x38;
	[tilespmem:$0x1C200] =	vst v63  }
0x259: {  	_ =	swait.ge [sflag:s29], $0x4000  }
0x25a: {  	[sflag:s29] =	ssyncset.done $0x0  }
0x25b: {  	s19 =	rddreg [dreg:$0x13];
	[sflag:s29] =	ssyncadd.s32 $0xFFFFC000  }
0x25c: {  	[hbm4b:s19+s3] =	stream.linear.scatter [tilespmem:s26], [sflag:$0x9], $0x4000, $0x38;
	[tilespmem:$0x1C200] =	vst v63  }
0x25d: {  	_ =	swait.ge [sflag:s31], $0x4000  }
0x25e: {  	[sflag:s31] =	ssyncset.done $0x0  }
0x25f: {  	[sflag:s31] =	ssyncadd.s32 $0xFFFFC000  }
0x260: {  	_ =	swait.ge [sflag:s9], $0x4000  }
0x261: {  	[sflag:s9] =	ssyncset.done $0x0  }
0x262: {  	[sflag:s9] =	ssyncadd.s32 $0xFFFFC000  }
0x263: {  	_ =	swait.ge [sflag:s12], $0x4000  }
0x264: {  	[sflag:s12] =	ssyncset.done $0x0  }
0x265: {  	[sflag:s12] =	ssyncadd.s32 $0xFFFFC000  }
0x266: {  	_ =	swait.ge [sflag:s14], $0x4000  }
0x267: {  	[sflag:s14] =	ssyncset.done $0x0  }
0x268: {  	[sflag:s14] =	ssyncadd.s32 $0xFFFFC000  }
0x269: {  	_ =	swait.ge [sflag:s15], $0x4000  }
0x26a: {  	[sflag:s15] =	ssyncset.done $0x0  }
0x26b: {  	[sflag:s15] =	ssyncadd.s32 $0xFFFFC000  }
0x26c: {  	p0 =	sne.s32 s6, $0x1;
	_ =	swait.ge [sflag:s30], $0x4000  }
.Ltmp0:
0x26d: {  	[sflag:s30] =	ssyncset.done $0x0;
	(pc) =	sbr.rel @p0 .LBB2_1-.Ltmp0, $4  }
0x26e: {  	[sflag:s30] =	ssyncadd.s32 $0xFFFFC000  }
0x26f: {  	_ =	swait.ge [sflag:s4], $0x4000  }
0x270: {  	[sflag:s4] =	ssyncset.done $0x0  }
0x271: {  	s6 =	sadd.s32 $0xFFFFFFFF, s6;
	[sflag:s4] =	ssyncadd.s32 $0xFFFFC000  }
0x272: {  	_ =	sfence.sel $0x180000  }
0x273: {  	[bflag:$0x0] =	sbarrier.arrive $0xFFFF  }
0x274: {  	_ =	strace $0x90000047  }
0x275: {  	s0 =	stileid.u32;
	[bflag:$0x2] =	sbarrier.arrive $0xFFFF  }
0x276: {  	p0 =	sne.s32 s0, $0x0;
	s0 =	rddreg [dreg:$0x3]  }
0x277: {  	s0 =	sadd.s32 @!p0 $0x100000, s0  }
0x278: {  	[sflag:s0] =	ssyncadd.tile.s32 @!p0 $0x1;
	_ =	shalt  }
.Lfunc_end2:
_tile_overlayer_lowered:
.L_overlay_start_2:
0x279: {  	(tag) =	ssettag $0x2  }
0x27a: {  	s0 =	rddreg [dreg:$0x0];
	s2 =	stileid.u32  }
0x27b: {  	s1 =	rddreg [dreg:$0x1];
	p0 =	sne.s32 s2, $0x0  }
0x27c: {  	s3 =	rddreg [dreg:$0x2];
	[bflag:$0x3] =	sbarrier.arrive $0xFFFF;
	s2 =	simm.s32 @!p0 $0x1C0F  }
0x27d: {  	[timem:s3], [sflag:s2] =	dma.local @!p0 [hbm:s0], s1  }
0x27e: {  	s0 =	simm.s32 @!p0 $0xF  }
0x27f: {  	_ =	swait.ge @!p0 [sflag:s0], s1  }
0x280: {  	s1 =	ssub.s32 @!p0 $0x0, s1;
	[sflag:s0] =	ssyncset.done @!p0 $0x0  }
0x281: {  	[sflag:s0] =	ssyncadd.s32 @!p0 s1  }
0x282: {  	[bflag:$0x3] =	sbarrier.arrive $0xFFFF  }
0x283: {  	_ =	shalt  }

</sc_bundles>
